<compile_context>
chip_gen: v7x
topology: tpu7x:2x2x1
jax: 0.10.2.dev20260603
libtpu: 0.0.44.dev20260713+nightly
codegen_flags: <defaults>
</compile_context>

<pallas_src>
import functools

import jax
import jax.numpy as jnp
from jax import lax
from jax.experimental import pallas as pl
from jax.experimental.pallas import tpu as pltpu
from jax.experimental.pallas import tpu_sc as plsc

NC = 2
NS = 16
C = 128


def _sc_stage(table, expr2d, tok2d, sym2d, idtab, ididx3d,
              acc_rows, id_rows, d, max_tok):
  per_sub = acc_rows // NS
  wo_chunks = per_sub // C
  k_app = expr2d.shape[0] // (NC * NS)
  id_chunks = id_rows // C
  mesh = plsc.VectorSubcoreMesh(core_axis_name="c", subcore_axis_name="s")

  @functools.partial(
      pl.kernel,
      mesh=mesh,
      out_type=[jax.ShapeDtypeStruct((NC, acc_rows, d), jnp.float32),
                jax.ShapeDtypeStruct((NC, acc_rows, d), jnp.float32),
                jax.ShapeDtypeStruct((id_rows, d), jnp.float32)],
      scratch_types=[
          pltpu.VMEM((C, d), jnp.float32),
          pltpu.VMEM((C, d), jnp.float32),
          pltpu.VMEM_SHARED((acc_rows, d), jnp.float32),
          pltpu.VMEM((8, C), jnp.int32),
          pltpu.VMEM((8, C), jnp.int32),
          pltpu.VMEM((8, C), jnp.int32),
          pltpu.VMEM((1, C), jnp.int32),
          pltpu.SemaphoreType.DMA,
          pltpu.SemaphoreType.DMA,
      ],
  )
  def sc_kernel(table_hbm, expr_hbm, tok_hbm, sym_hbm, idtab_hbm, ididx_hbm,
                sums_out, counts_out, ids_out,
                rowbuf, rowbuf2, acc, ebuf, tbuf, sbuf, idixbuf,
                sem, sem2):
    ci = lax.axis_index("c")
    si = lax.axis_index("s")
    wid = ci * NS + si
    base2 = wid * k_app
    k0 = 128
    k1 = 2 * k_app - k0
    kw = jnp.where(ci == 0, k0, k1)
    base = jnp.where(ci == 0, si * k0, NS * k0 + si * k1)
    nblk = kw // 8

    def _fill(val):
      def _f(i, _):
        r = i // (d // 16)
        c0 = (i % (d // 16)) * 16
        rowbuf[r, pl.ds(c0, 16)] = jnp.full((16,), val, jnp.float32)
        return 0
      lax.fori_loop(0, C * (d // 16), _f, 0)

    def _zero_acc():
      def _z(k, _):
        r0 = si * per_sub + k * C
        pltpu.sync_copy(rowbuf, acc.at[pl.ds(r0, C)])
        return 0
      lax.fori_loop(0, wo_chunks, _z, 0)

    def _writeout(dst):
      def _w(k, _):
        r0 = si * per_sub + k * C
        pltpu.sync_copy(acc.at[pl.ds(r0, C)], dst.at[ci, pl.ds(r0, C)])
        return 0
      lax.fori_loop(0, wo_chunks, _w, 0)

    _fill(0.0)
    _zero_acc()

    plsc.subcore_barrier()

    def _blk(b, _):
      @pl.when(b < nblk)
      def _():
        r0 = base + b * 8
        pltpu.sync_copy(expr_hbm.at[pl.ds(r0, 8)], ebuf)
        pltpu.sync_copy(tok_hbm.at[pl.ds(r0, 8)], tbuf)
        pltpu.sync_copy(sym_hbm.at[pl.ds(r0, 8)], sbuf)

        def _flat(i, _):
          r = i // (C // 16)
          c0 = (i % (C // 16)) * 16
          e = ebuf[r, pl.ds(c0, 16)]
          t = tbuf[r, pl.ds(c0, 16)]
          ebuf[r, pl.ds(c0, 16)] = e * max_tok + t
          return 0
        lax.fori_loop(0, 8 * (C // 16), _flat, 0)

        bufs = (rowbuf, rowbuf2)
        sms = (sem, sem2)
        cp = pltpu.async_copy(table_hbm.at[ebuf.at[0]], bufs[0], sms[0])
        for j in range(8):
          cp.wait()
          if j < 7:
            cp = pltpu.async_copy(table_hbm.at[ebuf.at[j + 1]],
                                  bufs[(j + 1) % 2], sms[(j + 1) % 2])
          pltpu.sync_copy(bufs[j % 2], acc.at[sbuf.at[j]], add=True)
      return 0
    lax.fori_loop(0, max(k0, k1) // 8, _blk, 0)

    for j in range((id_chunks + NC * NS - 1) // (NC * NS)):
      cid = wid + NC * NS * j

      @pl.when(cid < id_chunks)
      def _():
        pltpu.sync_copy(ididx_hbm.at[cid], idixbuf)
        pltpu.async_copy(idtab_hbm.at[idixbuf.at[0]], rowbuf, sem).wait()
        pltpu.sync_copy(rowbuf, ids_out.at[pl.ds(cid * C, C)])

    plsc.subcore_barrier()
    _writeout(sums_out)
    plsc.subcore_barrier()

    _fill(0.0)
    _zero_acc()
    plsc.subcore_barrier()
    _fill(1.0)

    def _blk2(b, _):
      @pl.when(b < nblk)
      def _():
        r0 = base + b * 8
        pltpu.sync_copy(sym_hbm.at[pl.ds(r0, 8)], sbuf)

        def _chunk2(j, _):
          pltpu.sync_copy(rowbuf, acc.at[sbuf.at[j]], add=True)
          return 0
        lax.fori_loop(0, 8, _chunk2, 0)
      return 0
    lax.fori_loop(0, max(k0, k1) // 8, _blk2, 0)

    plsc.subcore_barrier()
    _writeout(counts_out)

  return sc_kernel(table, expr2d, tok2d, sym2d, idtab, ididx3d)


def _tc_combine(sums, counts, ids, w, n_sym, d, r_blk):
  def body(sums_ref, cnts_ref, ids_ref, w_ref, out_ref):
    s = sums_ref[...]
    c = cnts_ref[...]
    idrows = ids_ref[...]
    wm = w_ref[...]
    cnt = jnp.maximum(c[0, :, 0:1] + c[1, :, 0:1], 1.0)
    mean = (s[0] + s[1]) / cnt
    out = lax.dot_general(idrows, wm[:, :d], (((1,), (1,)), ((), ())),
                          preferred_element_type=jnp.float32)
    out = out + lax.dot_general(mean, wm[:, d:], (((1,), (1,)), ((), ())),
                                preferred_element_type=jnp.float32)
    out_ref[...] = jnp.maximum(out, 0.0)

  return pl.pallas_call(
      body,
      grid=(n_sym // r_blk,),

      in_specs=[
          pl.BlockSpec((NC, r_blk, d), lambda i: (0, i, 0)),
          pl.BlockSpec((NC, r_blk, d), lambda i: (0, i, 0)),
          pl.BlockSpec((r_blk, d), lambda i: (i, 0)),
          pl.BlockSpec((d, 2 * d), lambda i: (0, 0)),
      ],
      out_specs=pl.BlockSpec((r_blk, d), lambda i: (i, 0)),
      out_shape=jax.ShapeDtypeStruct((n_sym, d), jnp.float32),
  )(sums, counts, ids, w)


def kernel(encoded_identifiers, symbols_identifier_indices,
           symbols_appearances_cfg_expression_idx,
           symbols_appearances_expression_token_idx,
           symbols_appearances_symbol_idx, encoded_cfg_expressions, W):
  d = encoded_identifiers.shape[1]
  n_sym = symbols_identifier_indices.shape[0]

  mt = encoded_cfg_expressions.shape[1]
  n_app = symbols_appearances_symbol_idx.shape[0]
  k_app = 80
  pad_app = NC * NS * k_app * C
  ei = jnp.zeros((pad_app,), jnp.int32).at[:n_app].set(
      symbols_appearances_cfg_expression_idx.astype(jnp.int32))
  ti = jnp.zeros((pad_app,), jnp.int32).at[:n_app].set(
      symbols_appearances_expression_token_idx.astype(jnp.int32))
  si = (n_sym + jnp.arange(pad_app, dtype=jnp.int32) % 240).at[:n_app].set(
      symbols_appearances_symbol_idx.astype(jnp.int32))
  flat_expr = encoded_cfg_expressions.reshape(-1, d)

  acc_rows = 10240
  id_rows = acc_rows
  ii = jnp.zeros((id_rows,), jnp.int32).at[:n_sym].set(
      symbols_identifier_indices.astype(jnp.int32))

  sums, counts, ids = _sc_stage(flat_expr, ei.reshape(-1, C),
                               ti.reshape(-1, C), si.reshape(-1, C),
                               encoded_identifiers, ii.reshape(-1, 1, C),
                               acc_rows, id_rows, d, mt)

  out = _tc_combine(sums, counts, ids, W, acc_rows, d, 1024)
  return out[:n_sym]

# --- scband reference (transcript-rebuilt; emitter-appended) ---
"""Pipeline reference for scband-symbols-encoder-34522947125632 (READ-ONLY COPY).

The authoritative reference and input builder live on the scoring server;
editing this copy changes nothing except your own understanding.
"""

import jax, jax.numpy as jnp
import numpy as np


def setup_inputs(seed: int = 0) -> dict:
    key = jax.random.key(seed)
    ks = jax.random.split(key, 8)
    n_identifiers = 20000
    n_symbols = 10000
    n_appear = 320000
    n_expr = 2000
    max_tok = 50
    d_sym = 128
    d_expr = 128
    inp = {}
    inp["encoded_identifiers"] = jax.random.normal(ks[0], (n_identifiers, d_sym), dtype=jnp.float32)
    inp["symbols_identifier_indices"] = jax.random.randint(ks[1], (n_symbols,), 0, n_identifiers, dtype=jnp.int64) if jax.config.jax_enable_x64 else jax.random.randint(ks[1], (n_symbols,), 0, n_identifiers)
    inp["symbols_appearances_cfg_expression_idx"] = jax.random.randint(ks[2], (n_appear,), 0, n_expr)
    inp["symbols_appearances_expression_token_idx"] = jax.random.randint(ks[3], (n_appear,), 0, max_tok)
    inp["symbols_appearances_symbol_idx"] = jnp.sort(jax.random.randint(ks[4], (n_appear,), 0, n_symbols))
    inp["encoded_cfg_expressions"] = jax.random.normal(ks[5], (n_expr, max_tok, d_expr), dtype=jnp.float32)
    inp["W"] = jax.random.normal(ks[6], (d_sym, d_expr + d_sym), dtype=jnp.float32) * 0.05
    return inp


def reference(encoded_identifiers, symbols_identifier_indices, symbols_appearances_cfg_expression_idx, symbols_appearances_expression_token_idx, symbols_appearances_symbol_idx, encoded_cfg_expressions, W):
    # gather identifier encodings for each symbol
    encoded_symbols_wo_commons = jnp.take(encoded_identifiers, symbols_identifier_indices, axis=0)
    # flatten expression token grid and gather token encodings for each symbol appearance
    max_nr_tokens_per_expression = encoded_cfg_expressions.shape[1]
    cfg_expr_tokens_indices = max_nr_tokens_per_expression * symbols_appearances_cfg_expression_idx + symbols_appearances_expression_token_idx
    flat_expr = encoded_cfg_expressions.reshape(-1, encoded_cfg_expressions.shape[-1])
    occ_enc = jnp.take(flat_expr, cfg_expr_tokens_indices, axis=0)
    # scatter_mean over symbol index
    nr_symbols = symbols_identifier_indices.shape[0]
    sums = jax.ops.segment_sum(occ_enc, symbols_appearances_symbol_idx, num_segments=nr_symbols)
    counts = jax.ops.segment_sum(jnp.ones((occ_enc.shape[0],), dtype=jnp.float32), symbols_appearances_symbol_idx, num_segments=nr_symbols)
    symbols_occurrences_encodings = sums / jnp.maximum(counts, 1.0)[:, None]
    combined = jnp.concatenate([encoded_symbols_wo_commons, symbols_occurrences_encodings], axis=-1)
    combined = combined @ W.T  # Linear, no bias
    combined = jax.nn.relu(combined)  # activation; dropout_rate=0.0 -> identity
    return combined

if __name__ == "__main__":
    import jax
    _d = setup_inputs()
    print(jax.jit(kernel)(*tuple(_d.values())))

</pallas_src>

<mosaic_0001>
#map = affine_map<(d0, d1) -> (0, 0)>
#map1 = affine_map<(d0, d1) -> (0, 0, 0)>
module attributes {stable_mosaic.version = 14 : i64} {
  func.func @sc_kernel(%arg0: i32, %arg1: i32, %arg2: memref<100000x128xf32, #tpu.memory_space<hbm>>, %arg3: memref<2560x128xi32, #tpu.memory_space<hbm>>, %arg4: memref<2560x128xi32, #tpu.memory_space<hbm>>, %arg5: memref<2560x128xi32, #tpu.memory_space<hbm>>, %arg6: memref<20000x128xf32, #tpu.memory_space<hbm>>, %arg7: memref<80x1x128xi32, #tpu.memory_space<hbm>>, %arg8: memref<2x10240x128xf32, #tpu.memory_space<hbm>>, %arg9: memref<2x10240x128xf32, #tpu.memory_space<hbm>>, %arg10: memref<10240x128xf32, #tpu.memory_space<hbm>>, %arg11: memref<128x128xf32, #tpu.memory_space<vmem>>, %arg12: memref<128x128xf32, #tpu.memory_space<vmem>>, %arg13: memref<10240x128xf32, #tpu.memory_space<vmem_shared>>, %arg14: memref<8x128xi32, #tpu.memory_space<vmem>>, %arg15: memref<8x128xi32, #tpu.memory_space<vmem>>, %arg16: memref<8x128xi32, #tpu.memory_space<vmem>>, %arg17: memref<1x128xi32, #tpu.memory_space<vmem>>, %arg18: memref<!tpu.dma_semaphore, #tpu.memory_space<semaphore_mem>>, %arg19: memref<!tpu.dma_semaphore, #tpu.memory_space<semaphore_mem>>) attributes {dimension_semantics = [#tpu.dimension_semantics<core_parallel>, #tpu.dimension_semantics<subcore_parallel>], iteration_bounds = array<i64: 2, 16>, scalar_prefetch = 0 : i64, scratch_operands = 9 : i64, tpu.core_type = #tpu.core_type<sc_vector_subcore>, window_params = [{transform_indices = #map}, {transform_indices = #map}, {transform_indices = #map}, {transform_indices = #map}, {transform_indices = #map}, {transform_indices = #map1}, {transform_indices = #map1}, {transform_indices = #map1}, {transform_indices = #map}]} {
    %mul3A = arith.constant 16 : i32
    %mul3A_0 = arith.muli %arg0, %mul3A : i32
    %add3A = arith.addi %mul3A_0, %arg1 : i32
    %mul3A_1 = arith.constant 80 : i32
    %mul3A_2 = arith.muli %add3A, %mul3A_1 : i32
    %eq3A = arith.constant 0 : i32
    %eq3A_3 = arith.cmpi eq, %arg0, %eq3A : i32
    %jit3A = arith.constant 128 : i32
    %jit3A_4 = arith.constant 32 : i32
    %select_n3A = arith.select %eq3A_3, %jit3A, %jit3A_4 : i32
    %eq3A_5 = arith.constant 0 : i32
    %eq3A_6 = arith.cmpi eq, %arg0, %eq3A_5 : i32
    %mul3A_7 = arith.constant 128 : i32
    %mul3A_8 = arith.muli %arg1, %mul3A_7 : i32
    %mul3A_9 = arith.constant 32 : i32
    %mul3A_10 = arith.muli %arg1, %mul3A_9 : i32
    %add3A_11 = arith.constant 2048 : i32
    %add3A_12 = arith.addi %add3A_11, %mul3A_10 : i32
    %select_n3A_13 = arith.select %eq3A_6, %mul3A_8, %add3A_12 : i32
    %jit3A_14 = arith.constant 8 : i32
    %div3A = arith.divsi %select_n3A, %jit3A_14 : i32
    %sign3A = arith.constant 0 : i32
    %sign3A_15 = arith.cmpi sgt, %select_n3A, %sign3A : i32
    %sign3A_16 = arith.extui %sign3A_15 : i1 to i32
    %sign3A_17 = arith.constant 0 : i32
    %sign3A_18 = arith.cmpi slt, %select_n3A, %sign3A_17 : i32
    %sign3A_19 = arith.extui %sign3A_18 : i1 to i32
    %sign3A_20 = arith.subi %sign3A_16, %sign3A_19 : i32
    %sign3A_21 = arith.constant 0 : i32
    %sign3A_22 = arith.cmpi sgt, %jit3A_14, %sign3A_21 : i32
    %sign3A_23 = arith.extui %sign3A_22 : i1 to i32
    %sign3A_24 = arith.constant 0 : i32
    %sign3A_25 = arith.cmpi slt, %jit3A_14, %sign3A_24 : i32
    %sign3A_26 = arith.extui %sign3A_25 : i1 to i32
    %sign3A_27 = arith.subi %sign3A_23, %sign3A_26 : i32
    %ne3A = arith.cmpi ne, %sign3A_20, %sign3A_27 : i32
    %rem3A = arith.remsi %select_n3A, %jit3A_14 : i32
    %ne3A_28 = arith.constant 0 : i32
    %ne3A_29 = arith.cmpi ne, %rem3A, %ne3A_28 : i32
    %and3A = arith.andi %ne3A, %ne3A_29 : i1
    %sub3A = arith.constant 1 : i32
    %sub3A_30 = arith.subi %div3A, %sub3A : i32
    %select_n3A_31 = arith.select %and3A, %sub3A_30, %div3A : i32
    %scan3A = arith.constant 0 : i32
    %scan3A_32 = arith.constant 0 : i32
    %scan3A_33 = arith.constant 1024 : i32
    %scan3A_34 = arith.addi %scan3A_32, %scan3A_33 : i32
    %scan3A_35 = arith.constant 1 : i32
    %scan3A_36 = scf.for %scan3A_116 = %scan3A_32 to %scan3A_34 step %scan3A_35 iter_args(%scan3A_117 = %scan3A) -> (i32)  : i32 {
      %jit3A_118 = arith.constant 8 : i32
      %div3A_119 = arith.divsi %scan3A_116, %jit3A_118 : i32
      %sign3A_120 = arith.constant 0 : i32
      %sign3A_121 = arith.cmpi sgt, %scan3A_116, %sign3A_120 : i32
      %sign3A_122 = arith.extui %sign3A_121 : i1 to i32
      %sign3A_123 = arith.constant 0 : i32
      %sign3A_124 = arith.cmpi slt, %scan3A_116, %sign3A_123 : i32
      %sign3A_125 = arith.extui %sign3A_124 : i1 to i32
      %sign3A_126 = arith.subi %sign3A_122, %sign3A_125 : i32
      %sign3A_127 = arith.constant 0 : i32
      %sign3A_128 = arith.cmpi sgt, %jit3A_118, %sign3A_127 : i32
      %sign3A_129 = arith.extui %sign3A_128 : i1 to i32
      %sign3A_130 = arith.constant 0 : i32
      %sign3A_131 = arith.cmpi slt, %jit3A_118, %sign3A_130 : i32
      %sign3A_132 = arith.extui %sign3A_131 : i1 to i32
      %sign3A_133 = arith.subi %sign3A_129, %sign3A_132 : i32
      %ne3A_134 = arith.cmpi ne, %sign3A_126, %sign3A_133 : i32
      %rem3A_135 = arith.remsi %scan3A_116, %jit3A_118 : i32
      %ne3A_136 = arith.constant 0 : i32
      %ne3A_137 = arith.cmpi ne, %rem3A_135, %ne3A_136 : i32
      %and3A_138 = arith.andi %ne3A_134, %ne3A_137 : i1
      %sub3A_139 = arith.constant 1 : i32
      %sub3A_140 = arith.subi %div3A_119, %sub3A_139 : i32
      %select_n3A_141 = arith.select %and3A_138, %sub3A_140, %div3A_119 : i32
      %jit3A_142 = arith.constant 8 : i32
      %eq3A_143 = arith.constant 0 : i32
      %eq3A_144 = arith.cmpi eq, %jit3A_142, %eq3A_143 : i32
      %jit3A_145 = arith.constant 1 : i32
      %select_n3A_146 = arith.select %eq3A_144, %jit3A_145, %jit3A_142 : i32
      %rem3A_147 = arith.remsi %scan3A_116, %select_n3A_146 : i32
      %ne3A_148 = arith.constant 0 : i32
      %ne3A_149 = arith.cmpi ne, %rem3A_147, %ne3A_148 : i32
      %lt3A_150 = arith.constant 0 : i32
      %lt3A_151 = arith.cmpi slt, %rem3A_147, %lt3A_150 : i32
      %lt3A_152 = arith.constant 0 : i32
      %lt3A_153 = arith.cmpi slt, %select_n3A_146, %lt3A_152 : i32
      %ne3A_154 = arith.xori %lt3A_151, %lt3A_153 : i1
      %and3A_155 = arith.andi %ne3A_154, %ne3A_149 : i1
      %add3A_156 = arith.addi %rem3A_147, %select_n3A_146 : i32
      %select_n3A_157 = arith.select %and3A_155, %add3A_156, %rem3A_147 : i32
      %mul3A_158 = arith.constant 16 : i32
      %mul3A_159 = arith.muli %select_n3A_157, %mul3A_158 : i32
      %broadcast_in_dim3A = arith.constant 0.000000e+00 : f32
      %broadcast_in_dim3A_160 = vector.broadcast %broadcast_in_dim3A : f32 to vector<16xf32>
      %swap3A = arith.index_cast %select_n3A_141 : i32 to index
      %swap3A_161 = arith.index_cast %mul3A_159 : i32 to index
      %swap3A_162 = tpu.vector_load %arg11[%swap3A, %swap3A_161] {strides = array<i32>} : memref<128x128xf32, #tpu.memory_space<vmem>>, vector<1x16xf32>,
      %swap3A_163 = vector.shape_cast %swap3A_162 : vector<1x16xf32> to vector<16xf32>
      %swap3A_164 = vector.shape_cast %broadcast_in_dim3A_160 : vector<16xf32> to vector<1x16xf32>
      tpu.vector_store %arg11[%swap3A, %swap3A_161], %swap3A_164 {strides = array<i32>} : memref<128x128xf32, #tpu.memory_space<vmem>>, vector<1x16xf32>,
      %scan3A_165 = arith.constant 0 : i32
      scf.yield %scan3A_165 : i32
    }
    %scan3A_37 = arith.constant 1024 : i32
    %scan3A_38 = arith.constant 0 : i32
    %scan3A_39 = arith.constant 0 : i32
    %scan3A_40 = arith.constant 5 : i32
    %scan3A_41 = arith.addi %scan3A_39, %scan3A_40 : i32
    %scan3A_42 = arith.constant 1 : i32
    %scan3A_43 = scf.for %scan3A_116 = %scan3A_39 to %scan3A_41 step %scan3A_42 iter_args(%scan3A_117 = %scan3A_38) -> (i32)  : i32 {
      %mul3A_118 = arith.constant 640 : i32
      %mul3A_119 = arith.muli %arg1, %mul3A_118 : i32
      %mul3A_120 = arith.constant 128 : i32
      %mul3A_121 = arith.muli %scan3A_116, %mul3A_120 : i32
      %add3A_122 = arith.addi %mul3A_119, %mul3A_121 : i32
      "tpu.region"() ({
        %run_scoped3A = tpu.sem_alloc : memref<!tpu.dma_semaphore, #tpu.memory_space<semaphore_mem>>
        %dma_start3A = arith.constant 0 : i32
        %dma_start3A_124 = tpu.memref_slice %arg13[%add3A_122, %dma_start3A] : memref<10240x128xf32, #tpu.memory_space<vmem_shared>> -> memref<128x128xf32, #tpu.memory_space<vmem_shared>>
        %dma_start3A_125 = arith.constant 0 : i32
        %dma_start3A_126 = tpu.memref_slice %arg13[%add3A_122, %dma_start3A_125] : memref<10240x128xf32, #tpu.memory_space<vmem_shared>> -> memref<128x128xf32, #tpu.memory_space<vmem_shared>>
        tpu.enqueue_dma source(%arg11 : memref<128x128xf32, #tpu.memory_space<vmem>>) target(%dma_start3A_126 : memref<128x128xf32, #tpu.memory_space<vmem_shared>>) target_semaphore(%run_scoped3A : memref<!tpu.dma_semaphore, #tpu.memory_space<semaphore_mem>>)
        %dma_wait3A = arith.constant 0 : i32
        %dma_wait3A_127 = tpu.memref_slice %arg13[%add3A_122, %dma_wait3A] : memref<10240x128xf32, #tpu.memory_space<vmem_shared>> -> memref<128x128xf32, #tpu.memory_space<vmem_shared>>
        %dma_wait3A_128 = arith.constant 0 : i32
        %dma_wait3A_129 = tpu.memref_slice %arg13[%add3A_122, %dma_wait3A_128] : memref<10240x128xf32, #tpu.memory_space<vmem_shared>> -> memref<128x128xf32, #tpu.memory_space<vmem_shared>>
        tpu.wait_dma2 semaphore(%run_scoped3A : memref<!tpu.dma_semaphore, #tpu.memory_space<semaphore_mem>>) src(%arg11 : memref<128x128xf32, #tpu.memory_space<vmem>>) dst(%dma_wait3A_129 : memref<128x128xf32, #tpu.memory_space<vmem_shared>>)
        tpu.yield
      }) : () -> ()
      %scan3A_123 = arith.constant 0 : i32
      scf.yield %scan3A_123 : i32
    }
    %scan3A_44 = arith.constant 5 : i32
    %barrier3A = arith.constant 0 : index
    tpu.barrier barrier_id(%barrier3A)
    %scan3A_45 = arith.constant 0 : i32
    %scan3A_46 = arith.constant 0 : i32
    %scan3A_47 = arith.constant 16 : i32
    %scan3A_48 = arith.addi %scan3A_46, %scan3A_47 : i32
    %scan3A_49 = arith.constant 1 : i32
    %scan3A_50 = scf.for %scan3A_116 = %scan3A_46 to %scan3A_48 step %scan3A_49 iter_args(%scan3A_117 = %scan3A_45) -> (i32)  : i32 {
      %lt3A_118 = arith.cmpi slt, %scan3A_116, %select_n3A_31 : i32
      %convert_element_type3A_119 = arith.extui %lt3A_118 : i1 to i32
      %cond3A_120 = arith.constant 0 : i32
      %cond3A_121 = arith.cmpi ne, %convert_element_type3A_119, %cond3A_120 : i32
      scf.if %cond3A_121 {
        %mul3A_123 = arith.constant 8 : i32
        %mul3A_124 = arith.muli %scan3A_116, %mul3A_123 : i32
        %add3A_125 = arith.addi %select_n3A_13, %mul3A_124 : i32
        "tpu.region"() ({
          %run_scoped3A_250 = tpu.sem_alloc : memref<!tpu.dma_semaphore, #tpu.memory_space<semaphore_mem>>
          %dma_start3A_251 = arith.constant 0 : i32
          %dma_start3A_252 = tpu.memref_slice %arg3[%add3A_125, %dma_start3A_251] : memref<2560x128xi32, #tpu.memory_space<hbm>> -> memref<8x128xi32, #tpu.memory_space<hbm>>
          %dma_start3A_253 = arith.constant 0 : i32
          %dma_start3A_254 = tpu.memref_slice %arg3[%add3A_125, %dma_start3A_253] : memref<2560x128xi32, #tpu.memory_space<hbm>> -> memref<8x128xi32, #tpu.memory_space<hbm>>
          tpu.enqueue_dma source(%dma_start3A_254 : memref<8x128xi32, #tpu.memory_space<hbm>>) target(%arg14 : memref<8x128xi32, #tpu.memory_space<vmem>>) target_semaphore(%run_scoped3A_250 : memref<!tpu.dma_semaphore, #tpu.memory_space<semaphore_mem>>)
          %dma_wait3A_255 = arith.constant 0 : i32
          %dma_wait3A_256 = tpu.memref_slice %arg3[%add3A_125, %dma_wait3A_255] : memref<2560x128xi32, #tpu.memory_space<hbm>> -> memref<8x128xi32, #tpu.memory_space<hbm>>
          %dma_wait3A_257 = arith.constant 0 : i32
          %dma_wait3A_258 = tpu.memref_slice %arg3[%add3A_125, %dma_wait3A_257] : memref<2560x128xi32, #tpu.memory_space<hbm>> -> memref<8x128xi32, #tpu.memory_space<hbm>>
          tpu.wait_dma2 semaphore(%run_scoped3A_250 : memref<!tpu.dma_semaphore, #tpu.memory_space<semaphore_mem>>) src(%dma_wait3A_258 : memref<8x128xi32, #tpu.memory_space<hbm>>) dst(%arg14 : memref<8x128xi32, #tpu.memory_space<vmem>>)
          tpu.yield
        }) : () -> ()
        "tpu.region"() ({
          %run_scoped3A_250 = tpu.sem_alloc : memref<!tpu.dma_semaphore, #tpu.memory_space<semaphore_mem>>
          %dma_start3A_251 = arith.constant 0 : i32
          %dma_start3A_252 = tpu.memref_slice %arg4[%add3A_125, %dma_start3A_251] : memref<2560x128xi32, #tpu.memory_space<hbm>> -> memref<8x128xi32, #tpu.memory_space<hbm>>
          %dma_start3A_253 = arith.constant 0 : i32
          %dma_start3A_254 = tpu.memref_slice %arg4[%add3A_125, %dma_start3A_253] : memref<2560x128xi32, #tpu.memory_space<hbm>> -> memref<8x128xi32, #tpu.memory_space<hbm>>
          tpu.enqueue_dma source(%dma_start3A_254 : memref<8x128xi32, #tpu.memory_space<hbm>>) target(%arg15 : memref<8x128xi32, #tpu.memory_space<vmem>>) target_semaphore(%run_scoped3A_250 : memref<!tpu.dma_semaphore, #tpu.memory_space<semaphore_mem>>)
          %dma_wait3A_255 = arith.constant 0 : i32
          %dma_wait3A_256 = tpu.memref_slice %arg4[%add3A_125, %dma_wait3A_255] : memref<2560x128xi32, #tpu.memory_space<hbm>> -> memref<8x128xi32, #tpu.memory_space<hbm>>
          %dma_wait3A_257 = arith.constant 0 : i32
          %dma_wait3A_258 = tpu.memref_slice %arg4[%add3A_125, %dma_wait3A_257] : memref<2560x128xi32, #tpu.memory_space<hbm>> -> memref<8x128xi32, #tpu.memory_space<hbm>>
          tpu.wait_dma2 semaphore(%run_scoped3A_250 : memref<!tpu.dma_semaphore, #tpu.memory_space<semaphore_mem>>) src(%dma_wait3A_258 : memref<8x128xi32, #tpu.memory_space<hbm>>) dst(%arg15 : memref<8x128xi32, #tpu.memory_space<vmem>>)
          tpu.yield
        }) : () -> ()
        "tpu.region"() ({
          %run_scoped3A_250 = tpu.sem_alloc : memref<!tpu.dma_semaphore, #tpu.memory_space<semaphore_mem>>
          %dma_start3A_251 = arith.constant 0 : i32
          %dma_start3A_252 = tpu.memref_slice %arg5[%add3A_125, %dma_start3A_251] : memref<2560x128xi32, #tpu.memory_space<hbm>> -> memref<8x128xi32, #tpu.memory_space<hbm>>
          %dma_start3A_253 = arith.constant 0 : i32
          %dma_start3A_254 = tpu.memref_slice %arg5[%add3A_125, %dma_start3A_253] : memref<2560x128xi32, #tpu.memory_space<hbm>> -> memref<8x128xi32, #tpu.memory_space<hbm>>
          tpu.enqueue_dma source(%dma_start3A_254 : memref<8x128xi32, #tpu.memory_space<hbm>>) target(%arg16 : memref<8x128xi32, #tpu.memory_space<vmem>>) target_semaphore(%run_scoped3A_250 : memref<!tpu.dma_semaphore, #tpu.memory_space<semaphore_mem>>)
          %dma_wait3A_255 = arith.constant 0 : i32
          %dma_wait3A_256 = tpu.memref_slice %arg5[%add3A_125, %dma_wait3A_255] : memref<2560x128xi32, #tpu.memory_space<hbm>> -> memref<8x128xi32, #tpu.memory_space<hbm>>
          %dma_wait3A_257 = arith.constant 0 : i32
          %dma_wait3A_258 = tpu.memref_slice %arg5[%add3A_125, %dma_wait3A_257] : memref<2560x128xi32, #tpu.memory_space<hbm>> -> memref<8x128xi32, #tpu.memory_space<hbm>>
          tpu.wait_dma2 semaphore(%run_scoped3A_250 : memref<!tpu.dma_semaphore, #tpu.memory_space<semaphore_mem>>) src(%dma_wait3A_258 : memref<8x128xi32, #tpu.memory_space<hbm>>) dst(%arg16 : memref<8x128xi32, #tpu.memory_space<vmem>>)
          tpu.yield
        }) : () -> ()
        %scan3A_126 = arith.constant 0 : i32
        %scan3A_127 = arith.constant 0 : i32
        %scan3A_128 = arith.constant 64 : i32
        %scan3A_129 = arith.addi %scan3A_127, %scan3A_128 : i32
        %scan3A_130 = arith.constant 1 : i32
        %scan3A_131 = scf.for %scan3A_250 = %scan3A_127 to %scan3A_129 step %scan3A_130 iter_args(%scan3A_251 = %scan3A_126) -> (i32)  : i32 {
          %jit3A_252 = arith.constant 8 : i32
          %div3A_253 = arith.divsi %scan3A_250, %jit3A_252 : i32
          %sign3A_254 = arith.constant 0 : i32
          %sign3A_255 = arith.cmpi sgt, %scan3A_250, %sign3A_254 : i32
          %sign3A_256 = arith.extui %sign3A_255 : i1 to i32
          %sign3A_257 = arith.constant 0 : i32
          %sign3A_258 = arith.cmpi slt, %scan3A_250, %sign3A_257 : i32
          %sign3A_259 = arith.extui %sign3A_258 : i1 to i32
          %sign3A_260 = arith.subi %sign3A_256, %sign3A_259 : i32
          %sign3A_261 = arith.constant 0 : i32
          %sign3A_262 = arith.cmpi sgt, %jit3A_252, %sign3A_261 : i32
          %sign3A_263 = arith.extui %sign3A_262 : i1 to i32
          %sign3A_264 = arith.constant 0 : i32
          %sign3A_265 = arith.cmpi slt, %jit3A_252, %sign3A_264 : i32
          %sign3A_266 = arith.extui %sign3A_265 : i1 to i32
          %sign3A_267 = arith.subi %sign3A_263, %sign3A_266 : i32
          %ne3A_268 = arith.cmpi ne, %sign3A_260, %sign3A_267 : i32
          %rem3A_269 = arith.remsi %scan3A_250, %jit3A_252 : i32
          %ne3A_270 = arith.constant 0 : i32
          %ne3A_271 = arith.cmpi ne, %rem3A_269, %ne3A_270 : i32
          %and3A_272 = arith.andi %ne3A_268, %ne3A_271 : i1
          %sub3A_273 = arith.constant 1 : i32
          %sub3A_274 = arith.subi %div3A_253, %sub3A_273 : i32
          %select_n3A_275 = arith.select %and3A_272, %sub3A_274, %div3A_253 : i32
          %jit3A_276 = arith.constant 8 : i32
          %eq3A_277 = arith.constant 0 : i32
          %eq3A_278 = arith.cmpi eq, %jit3A_276, %eq3A_277 : i32
          %jit3A_279 = arith.constant 1 : i32
          %select_n3A_280 = arith.select %eq3A_278, %jit3A_279, %jit3A_276 : i32
          %rem3A_281 = arith.remsi %scan3A_250, %select_n3A_280 : i32
          %ne3A_282 = arith.constant 0 : i32
          %ne3A_283 = arith.cmpi ne, %rem3A_281, %ne3A_282 : i32
          %lt3A_284 = arith.constant 0 : i32
          %lt3A_285 = arith.cmpi slt, %rem3A_281, %lt3A_284 : i32
          %lt3A_286 = arith.constant 0 : i32
          %lt3A_287 = arith.cmpi slt, %select_n3A_280, %lt3A_286 : i32
          %ne3A_288 = arith.xori %lt3A_285, %lt3A_287 : i1
          %and3A_289 = arith.andi %ne3A_288, %ne3A_283 : i1
          %add3A_290 = arith.addi %rem3A_281, %select_n3A_280 : i32
          %select_n3A_291 = arith.select %and3A_289, %add3A_290, %rem3A_281 : i32
          %mul3A_292 = arith.constant 16 : i32
          %mul3A_293 = arith.muli %select_n3A_291, %mul3A_292 : i32
          %get3A = arith.index_cast %select_n3A_275 : i32 to index
          %get3A_294 = arith.index_cast %mul3A_293 : i32 to index
          %get3A_295 = tpu.vector_load %arg14[%get3A, %get3A_294] {strides = array<i32>} : memref<8x128xi32, #tpu.memory_space<vmem>>, vector<1x16xi32>,
          %get3A_296 = vector.shape_cast %get3A_295 : vector<1x16xi32> to vector<16xi32>
          %get3A_297 = arith.index_cast %select_n3A_275 : i32 to index
          %get3A_298 = arith.index_cast %mul3A_293 : i32 to index
          %get3A_299 = tpu.vector_load %arg15[%get3A_297, %get3A_298] {strides = array<i32>} : memref<8x128xi32, #tpu.memory_space<vmem>>, vector<1x16xi32>,
          %get3A_300 = vector.shape_cast %get3A_299 : vector<1x16xi32> to vector<16xi32>
          %mul3A_301 = arith.constant 50 : i32
          %mul3A_302 = vector.broadcast %mul3A_301 : i32 to vector<16xi32>
          %mul3A_303 = arith.muli %get3A_296, %mul3A_302 : vector<16xi32>
          %add3A_304 = arith.addi %mul3A_303, %get3A_300 : vector<16xi32>
          %swap3A = arith.index_cast %select_n3A_275 : i32 to index
          %swap3A_305 = arith.index_cast %mul3A_293 : i32 to index
          %swap3A_306 = tpu.vector_load %arg14[%swap3A, %swap3A_305] {strides = array<i32>} : memref<8x128xi32, #tpu.memory_space<vmem>>, vector<1x16xi32>,
          %swap3A_307 = vector.shape_cast %swap3A_306 : vector<1x16xi32> to vector<16xi32>
          %swap3A_308 = vector.shape_cast %add3A_304 : vector<16xi32> to vector<1x16xi32>
          tpu.vector_store %arg14[%swap3A, %swap3A_305], %swap3A_308 {strides = array<i32>} : memref<8x128xi32, #tpu.memory_space<vmem>>, vector<1x16xi32>,
          %scan3A_309 = arith.constant 0 : i32
          scf.yield %scan3A_309 : i32
        }
        %scan3A_132 = arith.constant 64 : i32
        %dma_start3A = arith.constant 0 : i32
        %dma_start3A_133 = arith.constant 0 : i32
        %dma_start3A_134 = tpu.memref_slice %arg14[%dma_start3A, %dma_start3A_133] : memref<8x128xi32, #tpu.memory_space<vmem>> -> memref<1x128xi32, #tpu.memory_space<vmem>>
        %dma_start3A_135 = tpu.memref_squeeze %dma_start3A_134 : memref<1x128xi32, #tpu.memory_space<vmem>> -> memref<128xi32, #tpu.memory_space<vmem>>
        %dma_start3A_136 = arith.constant 0 : i32
        %dma_start3A_137 = arith.constant 0 : i32
        %dma_start3A_138 = tpu.memref_slice %arg2[%dma_start3A_136, %dma_start3A_137] : memref<100000x128xf32, #tpu.memory_space<hbm>> -> memref<100000x128xf32, #tpu.memory_space<hbm>>
        tpu.enqueue_indirect_dma source(%dma_start3A_138 : memref<100000x128xf32, #tpu.memory_space<hbm>>) target(%arg11 : memref<128x128xf32, #tpu.memory_space<vmem>>) offsets(%dma_start3A_135 : memref<128xi32, #tpu.memory_space<vmem>>) semaphore(%arg18 : memref<!tpu.dma_semaphore, #tpu.memory_space<semaphore_mem>>)
        %dma_wait3A = arith.constant 0 : i32
        %dma_wait3A_139 = arith.constant 0 : i32
        %dma_wait3A_140 = tpu.memref_slice %arg14[%dma_wait3A, %dma_wait3A_139] : memref<8x128xi32, #tpu.memory_space<vmem>> -> memref<1x128xi32, #tpu.memory_space<vmem>>
        %dma_wait3A_141 = tpu.memref_squeeze %dma_wait3A_140 : memref<1x128xi32, #tpu.memory_space<vmem>> -> memref<128xi32, #tpu.memory_space<vmem>>
        %dma_wait3A_142 = arith.constant 0 : i32
        %dma_wait3A_143 = arith.constant 0 : i32
        %dma_wait3A_144 = tpu.memref_slice %arg2[%dma_wait3A_142, %dma_wait3A_143] : memref<100000x128xf32, #tpu.memory_space<hbm>> -> memref<100000x128xf32, #tpu.memory_space<hbm>>
        tpu.wait_indirect_dma semaphore(%arg18 : memref<!tpu.dma_semaphore, #tpu.memory_space<semaphore_mem>>) src(%dma_wait3A_144 : memref<100000x128xf32, #tpu.memory_space<hbm>>) dst(%arg11 : memref<128x128xf32, #tpu.memory_space<vmem>>)
        %dma_start3A_145 = arith.constant 1 : i32
        %dma_start3A_146 = arith.constant 0 : i32
        %dma_start3A_147 = tpu.memref_slice %arg14[%dma_start3A_145, %dma_start3A_146] : memref<8x128xi32, #tpu.memory_space<vmem>> -> memref<1x128xi32, #tpu.memory_space<vmem>>
        %dma_start3A_148 = tpu.memref_squeeze %dma_start3A_147 : memref<1x128xi32, #tpu.memory_space<vmem>> -> memref<128xi32, #tpu.memory_space<vmem>>
        %dma_start3A_149 = arith.constant 0 : i32
        %dma_start3A_150 = arith.constant 0 : i32
        %dma_start3A_151 = tpu.memref_slice %arg2[%dma_start3A_149, %dma_start3A_150] : memref<100000x128xf32, #tpu.memory_space<hbm>> -> memref<100000x128xf32, #tpu.memory_space<hbm>>
        tpu.enqueue_indirect_dma source(%dma_start3A_151 : memref<100000x128xf32, #tpu.memory_space<hbm>>) target(%arg12 : memref<128x128xf32, #tpu.memory_space<vmem>>) offsets(%dma_start3A_148 : memref<128xi32, #tpu.memory_space<vmem>>) semaphore(%arg19 : memref<!tpu.dma_semaphore, #tpu.memory_space<semaphore_mem>>)
        %run_scoped3A = arith.constant 0 : i32
        "tpu.region"() ({
          %run_scoped3A_250 = tpu.sem_alloc : memref<!tpu.dma_semaphore, #tpu.memory_space<semaphore_mem>>
          %dma_start3A_251 = arith.constant 0 : i32
          %dma_start3A_252 = tpu.memref_slice %arg16[%run_scoped3A, %dma_start3A_251] : memref<8x128xi32, #tpu.memory_space<vmem>> -> memref<1x128xi32, #tpu.memory_space<vmem>>
          %dma_start3A_253 = tpu.memref_squeeze %dma_start3A_252 : memref<1x128xi32, #tpu.memory_space<vmem>> -> memref<128xi32, #tpu.memory_space<vmem>>
          %dma_start3A_254 = arith.constant 0 : i32
          %dma_start3A_255 = arith.constant 0 : i32
          %dma_start3A_256 = tpu.memref_slice %arg13[%dma_start3A_254, %dma_start3A_255] : memref<10240x128xf32, #tpu.memory_space<vmem_shared>> -> memref<10240x128xf32, #tpu.memory_space<vmem_shared>>
          tpu.enqueue_indirect_dma source(%arg11 : memref<128x128xf32, #tpu.memory_space<vmem>>) target(%dma_start3A_256 : memref<10240x128xf32, #tpu.memory_space<vmem_shared>>) offsets(%dma_start3A_253 : memref<128xi32, #tpu.memory_space<vmem>>) semaphore(%run_scoped3A_250 : memref<!tpu.dma_semaphore, #tpu.memory_space<semaphore_mem>>) {add = true}
          %dma_wait3A_257 = arith.constant 0 : i32
          %dma_wait3A_258 = tpu.memref_slice %arg16[%run_scoped3A, %dma_wait3A_257] : memref<8x128xi32, #tpu.memory_space<vmem>> -> memref<1x128xi32, #tpu.memory_space<vmem>>
          %dma_wait3A_259 = tpu.memref_squeeze %dma_wait3A_258 : memref<1x128xi32, #tpu.memory_space<vmem>> -> memref<128xi32, #tpu.memory_space<vmem>>
          %dma_wait3A_260 = arith.constant 0 : i32
          %dma_wait3A_261 = arith.constant 0 : i32
          %dma_wait3A_262 = tpu.memref_slice %arg13[%dma_wait3A_260, %dma_wait3A_261] : memref<10240x128xf32, #tpu.memory_space<vmem_shared>> -> memref<10240x128xf32, #tpu.memory_space<vmem_shared>>
          tpu.wait_indirect_dma semaphore(%run_scoped3A_250 : memref<!tpu.dma_semaphore, #tpu.memory_space<semaphore_mem>>) src(%arg11 : memref<128x128xf32, #tpu.memory_space<vmem>>) dst(%dma_wait3A_262 : memref<10240x128xf32, #tpu.memory_space<vmem_shared>>)
          tpu.yield
        }) : () -> ()
        %dma_wait3A_152 = arith.constant 1 : i32
        %dma_wait3A_153 = arith.constant 0 : i32
        %dma_wait3A_154 = tpu.memref_slice %arg14[%dma_wait3A_152, %dma_wait3A_153] : memref<8x128xi32, #tpu.memory_space<vmem>> -> memref<1x128xi32, #tpu.memory_space<vmem>>
        %dma_wait3A_155 = tpu.memref_squeeze %dma_wait3A_154 : memref<1x128xi32, #tpu.memory_space<vmem>> -> memref<128xi32, #tpu.memory_space<vmem>>
        %dma_wait3A_156 = arith.constant 0 : i32
        %dma_wait3A_157 = arith.constant 0 : i32
        %dma_wait3A_158 = tpu.memref_slice %arg2[%dma_wait3A_156, %dma_wait3A_157] : memref<100000x128xf32, #tpu.memory_space<hbm>> -> memref<100000x128xf32, #tpu.memory_space<hbm>>
        tpu.wait_indirect_dma semaphore(%arg19 : memref<!tpu.dma_semaphore, #tpu.memory_space<semaphore_mem>>) src(%dma_wait3A_158 : memref<100000x128xf32, #tpu.memory_space<hbm>>) dst(%arg12 : memref<128x128xf32, #tpu.memory_space<vmem>>)
        %dma_start3A_159 = arith.constant 2 : i32
        %dma_start3A_160 = arith.constant 0 : i32
        %dma_start3A_161 = tpu.memref_slice %arg14[%dma_start3A_159, %dma_start3A_160] : memref<8x128xi32, #tpu.memory_space<vmem>> -> memref<1x128xi32, #tpu.memory_space<vmem>>
        %dma_start3A_162 = tpu.memref_squeeze %dma_start3A_161 : memref<1x128xi32, #tpu.memory_space<vmem>> -> memref<128xi32, #tpu.memory_space<vmem>>
        %dma_start3A_163 = arith.constant 0 : i32
        %dma_start3A_164 = arith.constant 0 : i32
        %dma_start3A_165 = tpu.memref_slice %arg2[%dma_start3A_163, %dma_start3A_164] : memref<100000x128xf32, #tpu.memory_space<hbm>> -> memref<100000x128xf32, #tpu.memory_space<hbm>>
        tpu.enqueue_indirect_dma source(%dma_start3A_165 : memref<100000x128xf32, #tpu.memory_space<hbm>>) target(%arg11 : memref<128x128xf32, #tpu.memory_space<vmem>>) offsets(%dma_start3A_162 : memref<128xi32, #tpu.memory_space<vmem>>) semaphore(%arg18 : memref<!tpu.dma_semaphore, #tpu.memory_space<semaphore_mem>>)
        %run_scoped3A_166 = arith.constant 1 : i32
        "tpu.region"() ({
          %run_scoped3A_250 = tpu.sem_alloc : memref<!tpu.dma_semaphore, #tpu.memory_space<semaphore_mem>>
          %dma_start3A_251 = arith.constant 0 : i32
          %dma_start3A_252 = tpu.memref_slice %arg16[%run_scoped3A_166, %dma_start3A_251] : memref<8x128xi32, #tpu.memory_space<vmem>> -> memref<1x128xi32, #tpu.memory_space<vmem>>
          %dma_start3A_253 = tpu.memref_squeeze %dma_start3A_252 : memref<1x128xi32, #tpu.memory_space<vmem>> -> memref<128xi32, #tpu.memory_space<vmem>>
          %dma_start3A_254 = arith.constant 0 : i32
          %dma_start3A_255 = arith.constant 0 : i32
          %dma_start3A_256 = tpu.memref_slice %arg13[%dma_start3A_254, %dma_start3A_255] : memref<10240x128xf32, #tpu.memory_space<vmem_shared>> -> memref<10240x128xf32, #tpu.memory_space<vmem_shared>>
          tpu.enqueue_indirect_dma source(%arg12 : memref<128x128xf32, #tpu.memory_space<vmem>>) target(%dma_start3A_256 : memref<10240x128xf32, #tpu.memory_space<vmem_shared>>) offsets(%dma_start3A_253 : memref<128xi32, #tpu.memory_space<vmem>>) semaphore(%run_scoped3A_250 : memref<!tpu.dma_semaphore, #tpu.memory_space<semaphore_mem>>) {add = true}
          %dma_wait3A_257 = arith.constant 0 : i32
          %dma_wait3A_258 = tpu.memref_slice %arg16[%run_scoped3A_166, %dma_wait3A_257] : memref<8x128xi32, #tpu.memory_space<vmem>> -> memref<1x128xi32, #tpu.memory_space<vmem>>
          %dma_wait3A_259 = tpu.memref_squeeze %dma_wait3A_258 : memref<1x128xi32, #tpu.memory_space<vmem>> -> memref<128xi32, #tpu.memory_space<vmem>>
          %dma_wait3A_260 = arith.constant 0 : i32
          %dma_wait3A_261 = arith.constant 0 : i32
          %dma_wait3A_262 = tpu.memref_slice %arg13[%dma_wait3A_260, %dma_wait3A_261] : memref<10240x128xf32, #tpu.memory_space<vmem_shared>> -> memref<10240x128xf32, #tpu.memory_space<vmem_shared>>
          tpu.wait_indirect_dma semaphore(%run_scoped3A_250 : memref<!tpu.dma_semaphore, #tpu.memory_space<semaphore_mem>>) src(%arg12 : memref<128x128xf32, #tpu.memory_space<vmem>>) dst(%dma_wait3A_262 : memref<10240x128xf32, #tpu.memory_space<vmem_shared>>)
          tpu.yield
        }) : () -> ()
        %dma_wait3A_167 = arith.constant 2 : i32
        %dma_wait3A_168 = arith.constant 0 : i32
        %dma_wait3A_169 = tpu.memref_slice %arg14[%dma_wait3A_167, %dma_wait3A_168] : memref<8x128xi32, #tpu.memory_space<vmem>> -> memref<1x128xi32, #tpu.memory_space<vmem>>
        %dma_wait3A_170 = tpu.memref_squeeze %dma_wait3A_169 : memref<1x128xi32, #tpu.memory_space<vmem>> -> memref<128xi32, #tpu.memory_space<vmem>>
        %dma_wait3A_171 = arith.constant 0 : i32
        %dma_wait3A_172 = arith.constant 0 : i32
        %dma_wait3A_173 = tpu.memref_slice %arg2[%dma_wait3A_171, %dma_wait3A_172] : memref<100000x128xf32, #tpu.memory_space<hbm>> -> memref<100000x128xf32, #tpu.memory_space<hbm>>
        tpu.wait_indirect_dma semaphore(%arg18 : memref<!tpu.dma_semaphore, #tpu.memory_space<semaphore_mem>>) src(%dma_wait3A_173 : memref<100000x128xf32, #tpu.memory_space<hbm>>) dst(%arg11 : memref<128x128xf32, #tpu.memory_space<vmem>>)
        %dma_start3A_174 = arith.constant 3 : i32
        %dma_start3A_175 = arith.constant 0 : i32
        %dma_start3A_176 = tpu.memref_slice %arg14[%dma_start3A_174, %dma_start3A_175] : memref<8x128xi32, #tpu.memory_space<vmem>> -> memref<1x128xi32, #tpu.memory_space<vmem>>
        %dma_start3A_177 = tpu.memref_squeeze %dma_start3A_176 : memref<1x128xi32, #tpu.memory_space<vmem>> -> memref<128xi32, #tpu.memory_space<vmem>>
        %dma_start3A_178 = arith.constant 0 : i32
        %dma_start3A_179 = arith.constant 0 : i32
        %dma_start3A_180 = tpu.memref_slice %arg2[%dma_start3A_178, %dma_start3A_179] : memref<100000x128xf32, #tpu.memory_space<hbm>> -> memref<100000x128xf32, #tpu.memory_space<hbm>>
        tpu.enqueue_indirect_dma source(%dma_start3A_180 : memref<100000x128xf32, #tpu.memory_space<hbm>>) target(%arg12 : memref<128x128xf32, #tpu.memory_space<vmem>>) offsets(%dma_start3A_177 : memref<128xi32, #tpu.memory_space<vmem>>) semaphore(%arg19 : memref<!tpu.dma_semaphore, #tpu.memory_space<semaphore_mem>>)
        %run_scoped3A_181 = arith.constant 2 : i32
        "tpu.region"() ({
          %run_scoped3A_250 = tpu.sem_alloc : memref<!tpu.dma_semaphore, #tpu.memory_space<semaphore_mem>>
          %dma_start3A_251 = arith.constant 0 : i32
          %dma_start3A_252 = tpu.memref_slice %arg16[%run_scoped3A_181, %dma_start3A_251] : memref<8x128xi32, #tpu.memory_space<vmem>> -> memref<1x128xi32, #tpu.memory_space<vmem>>
          %dma_start3A_253 = tpu.memref_squeeze %dma_start3A_252 : memref<1x128xi32, #tpu.memory_space<vmem>> -> memref<128xi32, #tpu.memory_space<vmem>>
          %dma_start3A_254 = arith.constant 0 : i32
          %dma_start3A_255 = arith.constant 0 : i32
          %dma_start3A_256 = tpu.memref_slice %arg13[%dma_start3A_254, %dma_start3A_255] : memref<10240x128xf32, #tpu.memory_space<vmem_shared>> -> memref<10240x128xf32, #tpu.memory_space<vmem_shared>>
          tpu.enqueue_indirect_dma source(%arg11 : memref<128x128xf32, #tpu.memory_space<vmem>>) target(%dma_start3A_256 : memref<10240x128xf32, #tpu.memory_space<vmem_shared>>) offsets(%dma_start3A_253 : memref<128xi32, #tpu.memory_space<vmem>>) semaphore(%run_scoped3A_250 : memref<!tpu.dma_semaphore, #tpu.memory_space<semaphore_mem>>) {add = true}
          %dma_wait3A_257 = arith.constant 0 : i32
          %dma_wait3A_258 = tpu.memref_slice %arg16[%run_scoped3A_181, %dma_wait3A_257] : memref<8x128xi32, #tpu.memory_space<vmem>> -> memref<1x128xi32, #tpu.memory_space<vmem>>
          %dma_wait3A_259 = tpu.memref_squeeze %dma_wait3A_258 : memref<1x128xi32, #tpu.memory_space<vmem>> -> memref<128xi32, #tpu.memory_space<vmem>>
          %dma_wait3A_260 = arith.constant 0 : i32
          %dma_wait3A_261 = arith.constant 0 : i32
          %dma_wait3A_262 = tpu.memref_slice %arg13[%dma_wait3A_260, %dma_wait3A_261] : memref<10240x128xf32, #tpu.memory_space<vmem_shared>> -> memref<10240x128xf32, #tpu.memory_space<vmem_shared>>
          tpu.wait_indirect_dma semaphore(%run_scoped3A_250 : memref<!tpu.dma_semaphore, #tpu.memory_space<semaphore_mem>>) src(%arg11 : memref<128x128xf32, #tpu.memory_space<vmem>>) dst(%dma_wait3A_262 : memref<10240x128xf32, #tpu.memory_space<vmem_shared>>)
          tpu.yield
        }) : () -> ()
        %dma_wait3A_182 = arith.constant 3 : i32
        %dma_wait3A_183 = arith.constant 0 : i32
        %dma_wait3A_184 = tpu.memref_slice %arg14[%dma_wait3A_182, %dma_wait3A_183] : memref<8x128xi32, #tpu.memory_space<vmem>> -> memref<1x128xi32, #tpu.memory_space<vmem>>
        %dma_wait3A_185 = tpu.memref_squeeze %dma_wait3A_184 : memref<1x128xi32, #tpu.memory_space<vmem>> -> memref<128xi32, #tpu.memory_space<vmem>>
        %dma_wait3A_186 = arith.constant 0 : i32
        %dma_wait3A_187 = arith.constant 0 : i32
        %dma_wait3A_188 = tpu.memref_slice %arg2[%dma_wait3A_186, %dma_wait3A_187] : memref<100000x128xf32, #tpu.memory_space<hbm>> -> memref<100000x128xf32, #tpu.memory_space<hbm>>
        tpu.wait_indirect_dma semaphore(%arg19 : memref<!tpu.dma_semaphore, #tpu.memory_space<semaphore_mem>>) src(%dma_wait3A_188 : memref<100000x128xf32, #tpu.memory_space<hbm>>) dst(%arg12 : memref<128x128xf32, #tpu.memory_space<vmem>>)
        %dma_start3A_189 = arith.constant 4 : i32
        %dma_start3A_190 = arith.constant 0 : i32
        %dma_start3A_191 = tpu.memref_slice %arg14[%dma_start3A_189, %dma_start3A_190] : memref<8x128xi32, #tpu.memory_space<vmem>> -> memref<1x128xi32, #tpu.memory_space<vmem>>
        %dma_start3A_192 = tpu.memref_squeeze %dma_start3A_191 : memref<1x128xi32, #tpu.memory_space<vmem>> -> memref<128xi32, #tpu.memory_space<vmem>>
        %dma_start3A_193 = arith.constant 0 : i32
        %dma_start3A_194 = arith.constant 0 : i32
        %dma_start3A_195 = tpu.memref_slice %arg2[%dma_start3A_193, %dma_start3A_194] : memref<100000x128xf32, #tpu.memory_space<hbm>> -> memref<100000x128xf32, #tpu.memory_space<hbm>>
        tpu.enqueue_indirect_dma source(%dma_start3A_195 : memref<100000x128xf32, #tpu.memory_space<hbm>>) target(%arg11 : memref<128x128xf32, #tpu.memory_space<vmem>>) offsets(%dma_start3A_192 : memref<128xi32, #tpu.memory_space<vmem>>) semaphore(%arg18 : memref<!tpu.dma_semaphore, #tpu.memory_space<semaphore_mem>>)
        %run_scoped3A_196 = arith.constant 3 : i32
        "tpu.region"() ({
          %run_scoped3A_250 = tpu.sem_alloc : memref<!tpu.dma_semaphore, #tpu.memory_space<semaphore_mem>>
          %dma_start3A_251 = arith.constant 0 : i32
          %dma_start3A_252 = tpu.memref_slice %arg16[%run_scoped3A_196, %dma_start3A_251] : memref<8x128xi32, #tpu.memory_space<vmem>> -> memref<1x128xi32, #tpu.memory_space<vmem>>
          %dma_start3A_253 = tpu.memref_squeeze %dma_start3A_252 : memref<1x128xi32, #tpu.memory_space<vmem>> -> memref<128xi32, #tpu.memory_space<vmem>>
          %dma_start3A_254 = arith.constant 0 : i32
          %dma_start3A_255 = arith.constant 0 : i32
          %dma_start3A_256 = tpu.memref_slice %arg13[%dma_start3A_254, %dma_start3A_255] : memref<10240x128xf32, #tpu.memory_space<vmem_shared>> -> memref<10240x128xf32, #tpu.memory_space<vmem_shared>>
          tpu.enqueue_indirect_dma source(%arg12 : memref<128x128xf32, #tpu.memory_space<vmem>>) target(%dma_start3A_256 : memref<10240x128xf32, #tpu.memory_space<vmem_shared>>) offsets(%dma_start3A_253 : memref<128xi32, #tpu.memory_space<vmem>>) semaphore(%run_scoped3A_250 : memref<!tpu.dma_semaphore, #tpu.memory_space<semaphore_mem>>) {add = true}
          %dma_wait3A_257 = arith.constant 0 : i32
          %dma_wait3A_258 = tpu.memref_slice %arg16[%run_scoped3A_196, %dma_wait3A_257] : memref<8x128xi32, #tpu.memory_space<vmem>> -> memref<1x128xi32, #tpu.memory_space<vmem>>
          %dma_wait3A_259 = tpu.memref_squeeze %dma_wait3A_258 : memref<1x128xi32, #tpu.memory_space<vmem>> -> memref<128xi32, #tpu.memory_space<vmem>>
          %dma_wait3A_260 = arith.constant 0 : i32
          %dma_wait3A_261 = arith.constant 0 : i32
          %dma_wait3A_262 = tpu.memref_slice %arg13[%dma_wait3A_260, %dma_wait3A_261] : memref<10240x128xf32, #tpu.memory_space<vmem_shared>> -> memref<10240x128xf32, #tpu.memory_space<vmem_shared>>
          tpu.wait_indirect_dma semaphore(%run_scoped3A_250 : memref<!tpu.dma_semaphore, #tpu.memory_space<semaphore_mem>>) src(%arg12 : memref<128x128xf32, #tpu.memory_space<vmem>>) dst(%dma_wait3A_262 : memref<10240x128xf32, #tpu.memory_space<vmem_shared>>)
          tpu.yield
        }) : () -> ()
        %dma_wait3A_197 = arith.constant 4 : i32
        %dma_wait3A_198 = arith.constant 0 : i32
        %dma_wait3A_199 = tpu.memref_slice %arg14[%dma_wait3A_197, %dma_wait3A_198] : memref<8x128xi32, #tpu.memory_space<vmem>> -> memref<1x128xi32, #tpu.memory_space<vmem>>
        %dma_wait3A_200 = tpu.memref_squeeze %dma_wait3A_199 : memref<1x128xi32, #tpu.memory_space<vmem>> -> memref<128xi32, #tpu.memory_space<vmem>>
        %dma_wait3A_201 = arith.constant 0 : i32
        %dma_wait3A_202 = arith.constant 0 : i32
        %dma_wait3A_203 = tpu.memref_slice %arg2[%dma_wait3A_201, %dma_wait3A_202] : memref<100000x128xf32, #tpu.memory_space<hbm>> -> memref<100000x128xf32, #tpu.memory_space<hbm>>
        tpu.wait_indirect_dma semaphore(%arg18 : memref<!tpu.dma_semaphore, #tpu.memory_space<semaphore_mem>>) src(%dma_wait3A_203 : memref<100000x128xf32, #tpu.memory_space<hbm>>) dst(%arg11 : memref<128x128xf32, #tpu.memory_space<vmem>>)
        %dma_start3A_204 = arith.constant 5 : i32
        %dma_start3A_205 = arith.constant 0 : i32
        %dma_start3A_206 = tpu.memref_slice %arg14[%dma_start3A_204, %dma_start3A_205] : memref<8x128xi32, #tpu.memory_space<vmem>> -> memref<1x128xi32, #tpu.memory_space<vmem>>
        %dma_start3A_207 = tpu.memref_squeeze %dma_start3A_206 : memref<1x128xi32, #tpu.memory_space<vmem>> -> memref<128xi32, #tpu.memory_space<vmem>>
        %dma_start3A_208 = arith.constant 0 : i32
        %dma_start3A_209 = arith.constant 0 : i32
        %dma_start3A_210 = tpu.memref_slice %arg2[%dma_start3A_208, %dma_start3A_209] : memref<100000x128xf32, #tpu.memory_space<hbm>> -> memref<100000x128xf32, #tpu.memory_space<hbm>>
        tpu.enqueue_indirect_dma source(%dma_start3A_210 : memref<100000x128xf32, #tpu.memory_space<hbm>>) target(%arg12 : memref<128x128xf32, #tpu.memory_space<vmem>>) offsets(%dma_start3A_207 : memref<128xi32, #tpu.memory_space<vmem>>) semaphore(%arg19 : memref<!tpu.dma_semaphore, #tpu.memory_space<semaphore_mem>>)
        %run_scoped3A_211 = arith.constant 4 : i32
        "tpu.region"() ({
          %run_scoped3A_250 = tpu.sem_alloc : memref<!tpu.dma_semaphore, #tpu.memory_space<semaphore_mem>>
          %dma_start3A_251 = arith.constant 0 : i32
          %dma_start3A_252 = tpu.memref_slice %arg16[%run_scoped3A_211, %dma_start3A_251] : memref<8x128xi32, #tpu.memory_space<vmem>> -> memref<1x128xi32, #tpu.memory_space<vmem>>
          %dma_start3A_253 = tpu.memref_squeeze %dma_start3A_252 : memref<1x128xi32, #tpu.memory_space<vmem>> -> memref<128xi32, #tpu.memory_space<vmem>>
          %dma_start3A_254 = arith.constant 0 : i32
          %dma_start3A_255 = arith.constant 0 : i32
          %dma_start3A_256 = tpu.memref_slice %arg13[%dma_start3A_254, %dma_start3A_255] : memref<10240x128xf32, #tpu.memory_space<vmem_shared>> -> memref<10240x128xf32, #tpu.memory_space<vmem_shared>>
          tpu.enqueue_indirect_dma source(%arg11 : memref<128x128xf32, #tpu.memory_space<vmem>>) target(%dma_start3A_256 : memref<10240x128xf32, #tpu.memory_space<vmem_shared>>) offsets(%dma_start3A_253 : memref<128xi32, #tpu.memory_space<vmem>>) semaphore(%run_scoped3A_250 : memref<!tpu.dma_semaphore, #tpu.memory_space<semaphore_mem>>) {add = true}
          %dma_wait3A_257 = arith.constant 0 : i32
          %dma_wait3A_258 = tpu.memref_slice %arg16[%run_scoped3A_211, %dma_wait3A_257] : memref<8x128xi32, #tpu.memory_space<vmem>> -> memref<1x128xi32, #tpu.memory_space<vmem>>
          %dma_wait3A_259 = tpu.memref_squeeze %dma_wait3A_258 : memref<1x128xi32, #tpu.memory_space<vmem>> -> memref<128xi32, #tpu.memory_space<vmem>>
          %dma_wait3A_260 = arith.constant 0 : i32
          %dma_wait3A_261 = arith.constant 0 : i32
          %dma_wait3A_262 = tpu.memref_slice %arg13[%dma_wait3A_260, %dma_wait3A_261] : memref<10240x128xf32, #tpu.memory_space<vmem_shared>> -> memref<10240x128xf32, #tpu.memory_space<vmem_shared>>
          tpu.wait_indirect_dma semaphore(%run_scoped3A_250 : memref<!tpu.dma_semaphore, #tpu.memory_space<semaphore_mem>>) src(%arg11 : memref<128x128xf32, #tpu.memory_space<vmem>>) dst(%dma_wait3A_262 : memref<10240x128xf32, #tpu.memory_space<vmem_shared>>)
          tpu.yield
        }) : () -> ()
        %dma_wait3A_212 = arith.constant 5 : i32
        %dma_wait3A_213 = arith.constant 0 : i32
        %dma_wait3A_214 = tpu.memref_slice %arg14[%dma_wait3A_212, %dma_wait3A_213] : memref<8x128xi32, #tpu.memory_space<vmem>> -> memref<1x128xi32, #tpu.memory_space<vmem>>
        %dma_wait3A_215 = tpu.memref_squeeze %dma_wait3A_214 : memref<1x128xi32, #tpu.memory_space<vmem>> -> memref<128xi32, #tpu.memory_space<vmem>>
        %dma_wait3A_216 = arith.constant 0 : i32
        %dma_wait3A_217 = arith.constant 0 : i32
        %dma_wait3A_218 = tpu.memref_slice %arg2[%dma_wait3A_216, %dma_wait3A_217] : memref<100000x128xf32, #tpu.memory_space<hbm>> -> memref<100000x128xf32, #tpu.memory_space<hbm>>
        tpu.wait_indirect_dma semaphore(%arg19 : memref<!tpu.dma_semaphore, #tpu.memory_space<semaphore_mem>>) src(%dma_wait3A_218 : memref<100000x128xf32, #tpu.memory_space<hbm>>) dst(%arg12 : memref<128x128xf32, #tpu.memory_space<vmem>>)
        %dma_start3A_219 = arith.constant 6 : i32
        %dma_start3A_220 = arith.constant 0 : i32
        %dma_start3A_221 = tpu.memref_slice %arg14[%dma_start3A_219, %dma_start3A_220] : memref<8x128xi32, #tpu.memory_space<vmem>> -> memref<1x128xi32, #tpu.memory_space<vmem>>
        %dma_start3A_222 = tpu.memref_squeeze %dma_start3A_221 : memref<1x128xi32, #tpu.memory_space<vmem>> -> memref<128xi32, #tpu.memory_space<vmem>>
        %dma_start3A_223 = arith.constant 0 : i32
        %dma_start3A_224 = arith.constant 0 : i32
        %dma_start3A_225 = tpu.memref_slice %arg2[%dma_start3A_223, %dma_start3A_224] : memref<100000x128xf32, #tpu.memory_space<hbm>> -> memref<100000x128xf32, #tpu.memory_space<hbm>>
        tpu.enqueue_indirect_dma source(%dma_start3A_225 : memref<100000x128xf32, #tpu.memory_space<hbm>>) target(%arg11 : memref<128x128xf32, #tpu.memory_space<vmem>>) offsets(%dma_start3A_222 : memref<128xi32, #tpu.memory_space<vmem>>) semaphore(%arg18 : memref<!tpu.dma_semaphore, #tpu.memory_space<semaphore_mem>>)
        %run_scoped3A_226 = arith.constant 5 : i32
        "tpu.region"() ({
          %run_scoped3A_250 = tpu.sem_alloc : memref<!tpu.dma_semaphore, #tpu.memory_space<semaphore_mem>>
          %dma_start3A_251 = arith.constant 0 : i32
          %dma_start3A_252 = tpu.memref_slice %arg16[%run_scoped3A_226, %dma_start3A_251] : memref<8x128xi32, #tpu.memory_space<vmem>> -> memref<1x128xi32, #tpu.memory_space<vmem>>
          %dma_start3A_253 = tpu.memref_squeeze %dma_start3A_252 : memref<1x128xi32, #tpu.memory_space<vmem>> -> memref<128xi32, #tpu.memory_space<vmem>>
          %dma_start3A_254 = arith.constant 0 : i32
          %dma_start3A_255 = arith.constant 0 : i32
          %dma_start3A_256 = tpu.memref_slice %arg13[%dma_start3A_254, %dma_start3A_255] : memref<10240x128xf32, #tpu.memory_space<vmem_shared>> -> memref<10240x128xf32, #tpu.memory_space<vmem_shared>>
          tpu.enqueue_indirect_dma source(%arg12 : memref<128x128xf32, #tpu.memory_space<vmem>>) target(%dma_start3A_256 : memref<10240x128xf32, #tpu.memory_space<vmem_shared>>) offsets(%dma_start3A_253 : memref<128xi32, #tpu.memory_space<vmem>>) semaphore(%run_scoped3A_250 : memref<!tpu.dma_semaphore, #tpu.memory_space<semaphore_mem>>) {add = true}
          %dma_wait3A_257 = arith.constant 0 : i32
          %dma_wait3A_258 = tpu.memref_slice %arg16[%run_scoped3A_226, %dma_wait3A_257] : memref<8x128xi32, #tpu.memory_space<vmem>> -> memref<1x128xi32, #tpu.memory_space<vmem>>
          %dma_wait3A_259 = tpu.memref_squeeze %dma_wait3A_258 : memref<1x128xi32, #tpu.memory_space<vmem>> -> memref<128xi32, #tpu.memory_space<vmem>>
          %dma_wait3A_260 = arith.constant 0 : i32
          %dma_wait3A_261 = arith.constant 0 : i32
          %dma_wait3A_262 = tpu.memref_slice %arg13[%dma_wait3A_260, %dma_wait3A_261] : memref<10240x128xf32, #tpu.memory_space<vmem_shared>> -> memref<10240x128xf32, #tpu.memory_space<vmem_shared>>
          tpu.wait_indirect_dma semaphore(%run_scoped3A_250 : memref<!tpu.dma_semaphore, #tpu.memory_space<semaphore_mem>>) src(%arg12 : memref<128x128xf32, #tpu.memory_space<vmem>>) dst(%dma_wait3A_262 : memref<10240x128xf32, #tpu.memory_space<vmem_shared>>)
          tpu.yield
        }) : () -> ()
        %dma_wait3A_227 = arith.constant 6 : i32
        %dma_wait3A_228 = arith.constant 0 : i32
        %dma_wait3A_229 = tpu.memref_slice %arg14[%dma_wait3A_227, %dma_wait3A_228] : memref<8x128xi32, #tpu.memory_space<vmem>> -> memref<1x128xi32, #tpu.memory_space<vmem>>
        %dma_wait3A_230 = tpu.memref_squeeze %dma_wait3A_229 : memref<1x128xi32, #tpu.memory_space<vmem>> -> memref<128xi32, #tpu.memory_space<vmem>>
        %dma_wait3A_231 = arith.constant 0 : i32
        %dma_wait3A_232 = arith.constant 0 : i32
        %dma_wait3A_233 = tpu.memref_slice %arg2[%dma_wait3A_231, %dma_wait3A_232] : memref<100000x128xf32, #tpu.memory_space<hbm>> -> memref<100000x128xf32, #tpu.memory_space<hbm>>
        tpu.wait_indirect_dma semaphore(%arg18 : memref<!tpu.dma_semaphore, #tpu.memory_space<semaphore_mem>>) src(%dma_wait3A_233 : memref<100000x128xf32, #tpu.memory_space<hbm>>) dst(%arg11 : memref<128x128xf32, #tpu.memory_space<vmem>>)
        %dma_start3A_234 = arith.constant 7 : i32
        %dma_start3A_235 = arith.constant 0 : i32
        %dma_start3A_236 = tpu.memref_slice %arg14[%dma_start3A_234, %dma_start3A_235] : memref<8x128xi32, #tpu.memory_space<vmem>> -> memref<1x128xi32, #tpu.memory_space<vmem>>
        %dma_start3A_237 = tpu.memref_squeeze %dma_start3A_236 : memref<1x128xi32, #tpu.memory_space<vmem>> -> memref<128xi32, #tpu.memory_space<vmem>>
        %dma_start3A_238 = arith.constant 0 : i32
        %dma_start3A_239 = arith.constant 0 : i32
        %dma_start3A_240 = tpu.memref_slice %arg2[%dma_start3A_238, %dma_start3A_239] : memref<100000x128xf32, #tpu.memory_space<hbm>> -> memref<100000x128xf32, #tpu.memory_space<hbm>>
        tpu.enqueue_indirect_dma source(%dma_start3A_240 : memref<100000x128xf32, #tpu.memory_space<hbm>>) target(%arg12 : memref<128x128xf32, #tpu.memory_space<vmem>>) offsets(%dma_start3A_237 : memref<128xi32, #tpu.memory_space<vmem>>) semaphore(%arg19 : memref<!tpu.dma_semaphore, #tpu.memory_space<semaphore_mem>>)
        %run_scoped3A_241 = arith.constant 6 : i32
        "tpu.region"() ({
          %run_scoped3A_250 = tpu.sem_alloc : memref<!tpu.dma_semaphore, #tpu.memory_space<semaphore_mem>>
          %dma_start3A_251 = arith.constant 0 : i32
          %dma_start3A_252 = tpu.memref_slice %arg16[%run_scoped3A_241, %dma_start3A_251] : memref<8x128xi32, #tpu.memory_space<vmem>> -> memref<1x128xi32, #tpu.memory_space<vmem>>
          %dma_start3A_253 = tpu.memref_squeeze %dma_start3A_252 : memref<1x128xi32, #tpu.memory_space<vmem>> -> memref<128xi32, #tpu.memory_space<vmem>>
          %dma_start3A_254 = arith.constant 0 : i32
          %dma_start3A_255 = arith.constant 0 : i32
          %dma_start3A_256 = tpu.memref_slice %arg13[%dma_start3A_254, %dma_start3A_255] : memref<10240x128xf32, #tpu.memory_space<vmem_shared>> -> memref<10240x128xf32, #tpu.memory_space<vmem_shared>>
          tpu.enqueue_indirect_dma source(%arg11 : memref<128x128xf32, #tpu.memory_space<vmem>>) target(%dma_start3A_256 : memref<10240x128xf32, #tpu.memory_space<vmem_shared>>) offsets(%dma_start3A_253 : memref<128xi32, #tpu.memory_space<vmem>>) semaphore(%run_scoped3A_250 : memref<!tpu.dma_semaphore, #tpu.memory_space<semaphore_mem>>) {add = true}
          %dma_wait3A_257 = arith.constant 0 : i32
          %dma_wait3A_258 = tpu.memref_slice %arg16[%run_scoped3A_241, %dma_wait3A_257] : memref<8x128xi32, #tpu.memory_space<vmem>> -> memref<1x128xi32, #tpu.memory_space<vmem>>
          %dma_wait3A_259 = tpu.memref_squeeze %dma_wait3A_258 : memref<1x128xi32, #tpu.memory_space<vmem>> -> memref<128xi32, #tpu.memory_space<vmem>>
          %dma_wait3A_260 = arith.constant 0 : i32
          %dma_wait3A_261 = arith.constant 0 : i32
          %dma_wait3A_262 = tpu.memref_slice %arg13[%dma_wait3A_260, %dma_wait3A_261] : memref<10240x128xf32, #tpu.memory_space<vmem_shared>> -> memref<10240x128xf32, #tpu.memory_space<vmem_shared>>
          tpu.wait_indirect_dma semaphore(%run_scoped3A_250 : memref<!tpu.dma_semaphore, #tpu.memory_space<semaphore_mem>>) src(%arg11 : memref<128x128xf32, #tpu.memory_space<vmem>>) dst(%dma_wait3A_262 : memref<10240x128xf32, #tpu.memory_space<vmem_shared>>)
          tpu.yield
        }) : () -> ()
        %dma_wait3A_242 = arith.constant 7 : i32
        %dma_wait3A_243 = arith.constant 0 : i32
        %dma_wait3A_244 = tpu.memref_slice %arg14[%dma_wait3A_242, %dma_wait3A_243] : memref<8x128xi32, #tpu.memory_space<vmem>> -> memref<1x128xi32, #tpu.memory_space<vmem>>
        %dma_wait3A_245 = tpu.memref_squeeze %dma_wait3A_244 : memref<1x128xi32, #tpu.memory_space<vmem>> -> memref<128xi32, #tpu.memory_space<vmem>>
        %dma_wait3A_246 = arith.constant 0 : i32
        %dma_wait3A_247 = arith.constant 0 : i32
        %dma_wait3A_248 = tpu.memref_slice %arg2[%dma_wait3A_246, %dma_wait3A_247] : memref<100000x128xf32, #tpu.memory_space<hbm>> -> memref<100000x128xf32, #tpu.memory_space<hbm>>
        tpu.wait_indirect_dma semaphore(%arg19 : memref<!tpu.dma_semaphore, #tpu.memory_space<semaphore_mem>>) src(%dma_wait3A_248 : memref<100000x128xf32, #tpu.memory_space<hbm>>) dst(%arg12 : memref<128x128xf32, #tpu.memory_space<vmem>>)
        %run_scoped3A_249 = arith.constant 7 : i32
        "tpu.region"() ({
          %run_scoped3A_250 = tpu.sem_alloc : memref<!tpu.dma_semaphore, #tpu.memory_space<semaphore_mem>>
          %dma_start3A_251 = arith.constant 0 : i32
          %dma_start3A_252 = tpu.memref_slice %arg16[%run_scoped3A_249, %dma_start3A_251] : memref<8x128xi32, #tpu.memory_space<vmem>> -> memref<1x128xi32, #tpu.memory_space<vmem>>
          %dma_start3A_253 = tpu.memref_squeeze %dma_start3A_252 : memref<1x128xi32, #tpu.memory_space<vmem>> -> memref<128xi32, #tpu.memory_space<vmem>>
          %dma_start3A_254 = arith.constant 0 : i32
          %dma_start3A_255 = arith.constant 0 : i32
          %dma_start3A_256 = tpu.memref_slice %arg13[%dma_start3A_254, %dma_start3A_255] : memref<10240x128xf32, #tpu.memory_space<vmem_shared>> -> memref<10240x128xf32, #tpu.memory_space<vmem_shared>>
          tpu.enqueue_indirect_dma source(%arg12 : memref<128x128xf32, #tpu.memory_space<vmem>>) target(%dma_start3A_256 : memref<10240x128xf32, #tpu.memory_space<vmem_shared>>) offsets(%dma_start3A_253 : memref<128xi32, #tpu.memory_space<vmem>>) semaphore(%run_scoped3A_250 : memref<!tpu.dma_semaphore, #tpu.memory_space<semaphore_mem>>) {add = true}
          %dma_wait3A_257 = arith.constant 0 : i32
          %dma_wait3A_258 = tpu.memref_slice %arg16[%run_scoped3A_249, %dma_wait3A_257] : memref<8x128xi32, #tpu.memory_space<vmem>> -> memref<1x128xi32, #tpu.memory_space<vmem>>
          %dma_wait3A_259 = tpu.memref_squeeze %dma_wait3A_258 : memref<1x128xi32, #tpu.memory_space<vmem>> -> memref<128xi32, #tpu.memory_space<vmem>>
          %dma_wait3A_260 = arith.constant 0 : i32
          %dma_wait3A_261 = arith.constant 0 : i32
          %dma_wait3A_262 = tpu.memref_slice %arg13[%dma_wait3A_260, %dma_wait3A_261] : memref<10240x128xf32, #tpu.memory_space<vmem_shared>> -> memref<10240x128xf32, #tpu.memory_space<vmem_shared>>
          tpu.wait_indirect_dma semaphore(%run_scoped3A_250 : memref<!tpu.dma_semaphore, #tpu.memory_space<semaphore_mem>>) src(%arg12 : memref<128x128xf32, #tpu.memory_space<vmem>>) dst(%dma_wait3A_262 : memref<10240x128xf32, #tpu.memory_space<vmem_shared>>)
          tpu.yield
        }) : () -> ()
      } else {
      }
      %scan3A_122 = arith.constant 0 : i32
      scf.yield %scan3A_122 : i32
    }
    %scan3A_51 = arith.constant 16 : i32
    %add3A_52 = arith.constant 0 : i32
    %add3A_53 = arith.addi %add3A, %add3A_52 : i32
    %lt3A = arith.constant 80 : i32
    %lt3A_54 = arith.cmpi slt, %add3A_53, %lt3A : i32
    %convert_element_type3A = arith.extui %lt3A_54 : i1 to i32
    %cond3A = arith.constant 0 : i32
    %cond3A_55 = arith.cmpi ne, %convert_element_type3A, %cond3A : i32
    scf.if %cond3A_55 {
      "tpu.region"() ({
        %run_scoped3A = tpu.sem_alloc : memref<!tpu.dma_semaphore, #tpu.memory_space<semaphore_mem>>
        %dma_start3A_130 = arith.constant 0 : i32
        %dma_start3A_131 = arith.constant 0 : i32
        %dma_start3A_132 = tpu.memref_slice %arg7[%add3A_53, %dma_start3A_130, %dma_start3A_131] : memref<80x1x128xi32, #tpu.memory_space<hbm>> -> memref<1x1x128xi32, #tpu.memory_space<hbm>>
        %dma_start3A_133 = tpu.memref_squeeze %dma_start3A_132 : memref<1x1x128xi32, #tpu.memory_space<hbm>> -> memref<1x128xi32, #tpu.memory_space<hbm>>
        %dma_start3A_134 = arith.constant 0 : i32
        %dma_start3A_135 = arith.constant 0 : i32
        %dma_start3A_136 = tpu.memref_slice %arg7[%add3A_53, %dma_start3A_134, %dma_start3A_135] : memref<80x1x128xi32, #tpu.memory_space<hbm>> -> memref<1x1x128xi32, #tpu.memory_space<hbm>>
        %dma_start3A_137 = tpu.memref_squeeze %dma_start3A_136 : memref<1x1x128xi32, #tpu.memory_space<hbm>> -> memref<1x128xi32, #tpu.memory_space<hbm>>
        tpu.enqueue_dma source(%dma_start3A_137 : memref<1x128xi32, #tpu.memory_space<hbm>>) target(%arg17 : memref<1x128xi32, #tpu.memory_space<vmem>>) target_semaphore(%run_scoped3A : memref<!tpu.dma_semaphore, #tpu.memory_space<semaphore_mem>>)
        %dma_wait3A_138 = arith.constant 0 : i32
        %dma_wait3A_139 = arith.constant 0 : i32
        %dma_wait3A_140 = tpu.memref_slice %arg7[%add3A_53, %dma_wait3A_138, %dma_wait3A_139] : memref<80x1x128xi32, #tpu.memory_space<hbm>> -> memref<1x1x128xi32, #tpu.memory_space<hbm>>
        %dma_wait3A_141 = tpu.memref_squeeze %dma_wait3A_140 : memref<1x1x128xi32, #tpu.memory_space<hbm>> -> memref<1x128xi32, #tpu.memory_space<hbm>>
        %dma_wait3A_142 = arith.constant 0 : i32
        %dma_wait3A_143 = arith.constant 0 : i32
        %dma_wait3A_144 = tpu.memref_slice %arg7[%add3A_53, %dma_wait3A_142, %dma_wait3A_143] : memref<80x1x128xi32, #tpu.memory_space<hbm>> -> memref<1x1x128xi32, #tpu.memory_space<hbm>>
        %dma_wait3A_145 = tpu.memref_squeeze %dma_wait3A_144 : memref<1x1x128xi32, #tpu.memory_space<hbm>> -> memref<1x128xi32, #tpu.memory_space<hbm>>
        tpu.wait_dma2 semaphore(%run_scoped3A : memref<!tpu.dma_semaphore, #tpu.memory_space<semaphore_mem>>) src(%dma_wait3A_145 : memref<1x128xi32, #tpu.memory_space<hbm>>) dst(%arg17 : memref<1x128xi32, #tpu.memory_space<vmem>>)
        tpu.yield
      }) : () -> ()
      %dma_start3A = arith.constant 0 : i32
      %dma_start3A_116 = arith.constant 0 : i32
      %dma_start3A_117 = tpu.memref_slice %arg17[%dma_start3A, %dma_start3A_116] : memref<1x128xi32, #tpu.memory_space<vmem>> -> memref<1x128xi32, #tpu.memory_space<vmem>>
      %dma_start3A_118 = tpu.memref_squeeze %dma_start3A_117 : memref<1x128xi32, #tpu.memory_space<vmem>> -> memref<128xi32, #tpu.memory_space<vmem>>
      %dma_start3A_119 = arith.constant 0 : i32
      %dma_start3A_120 = arith.constant 0 : i32
      %dma_start3A_121 = tpu.memref_slice %arg6[%dma_start3A_119, %dma_start3A_120] : memref<20000x128xf32, #tpu.memory_space<hbm>> -> memref<20000x128xf32, #tpu.memory_space<hbm>>
      tpu.enqueue_indirect_dma source(%dma_start3A_121 : memref<20000x128xf32, #tpu.memory_space<hbm>>) target(%arg11 : memref<128x128xf32, #tpu.memory_space<vmem>>) offsets(%dma_start3A_118 : memref<128xi32, #tpu.memory_space<vmem>>) semaphore(%arg18 : memref<!tpu.dma_semaphore, #tpu.memory_space<semaphore_mem>>)
      %dma_wait3A = arith.constant 0 : i32
      %dma_wait3A_122 = arith.constant 0 : i32
      %dma_wait3A_123 = tpu.memref_slice %arg17[%dma_wait3A, %dma_wait3A_122] : memref<1x128xi32, #tpu.memory_space<vmem>> -> memref<1x128xi32, #tpu.memory_space<vmem>>
      %dma_wait3A_124 = tpu.memref_squeeze %dma_wait3A_123 : memref<1x128xi32, #tpu.memory_space<vmem>> -> memref<128xi32, #tpu.memory_space<vmem>>
      %dma_wait3A_125 = arith.constant 0 : i32
      %dma_wait3A_126 = arith.constant 0 : i32
      %dma_wait3A_127 = tpu.memref_slice %arg6[%dma_wait3A_125, %dma_wait3A_126] : memref<20000x128xf32, #tpu.memory_space<hbm>> -> memref<20000x128xf32, #tpu.memory_space<hbm>>
      tpu.wait_indirect_dma semaphore(%arg18 : memref<!tpu.dma_semaphore, #tpu.memory_space<semaphore_mem>>) src(%dma_wait3A_127 : memref<20000x128xf32, #tpu.memory_space<hbm>>) dst(%arg11 : memref<128x128xf32, #tpu.memory_space<vmem>>)
      %mul3A_128 = arith.constant 128 : i32
      %mul3A_129 = arith.muli %add3A_53, %mul3A_128 : i32
      "tpu.region"() ({
        %run_scoped3A = tpu.sem_alloc : memref<!tpu.dma_semaphore, #tpu.memory_space<semaphore_mem>>
        %dma_start3A_130 = arith.constant 0 : i32
        %dma_start3A_131 = tpu.memref_slice %arg10[%mul3A_129, %dma_start3A_130] : memref<10240x128xf32, #tpu.memory_space<hbm>> -> memref<128x128xf32, #tpu.memory_space<hbm>>
        %dma_start3A_132 = arith.constant 0 : i32
        %dma_start3A_133 = tpu.memref_slice %arg10[%mul3A_129, %dma_start3A_132] : memref<10240x128xf32, #tpu.memory_space<hbm>> -> memref<128x128xf32, #tpu.memory_space<hbm>>
        tpu.enqueue_dma source(%arg11 : memref<128x128xf32, #tpu.memory_space<vmem>>) target(%dma_start3A_133 : memref<128x128xf32, #tpu.memory_space<hbm>>) target_semaphore(%run_scoped3A : memref<!tpu.dma_semaphore, #tpu.memory_space<semaphore_mem>>)
        %dma_wait3A_134 = arith.constant 0 : i32
        %dma_wait3A_135 = tpu.memref_slice %arg10[%mul3A_129, %dma_wait3A_134] : memref<10240x128xf32, #tpu.memory_space<hbm>> -> memref<128x128xf32, #tpu.memory_space<hbm>>
        %dma_wait3A_136 = arith.constant 0 : i32
        %dma_wait3A_137 = tpu.memref_slice %arg10[%mul3A_129, %dma_wait3A_136] : memref<10240x128xf32, #tpu.memory_space<hbm>> -> memref<128x128xf32, #tpu.memory_space<hbm>>
        tpu.wait_dma2 semaphore(%run_scoped3A : memref<!tpu.dma_semaphore, #tpu.memory_space<semaphore_mem>>) src(%arg11 : memref<128x128xf32, #tpu.memory_space<vmem>>) dst(%dma_wait3A_137 : memref<128x128xf32, #tpu.memory_space<hbm>>)
        tpu.yield
      }) : () -> ()
    } else {
    }
    %add3A_56 = arith.constant 32 : i32
    %add3A_57 = arith.addi %add3A, %add3A_56 : i32
    %lt3A_58 = arith.constant 80 : i32
    %lt3A_59 = arith.cmpi slt, %add3A_57, %lt3A_58 : i32
    %convert_element_type3A_60 = arith.extui %lt3A_59 : i1 to i32
    %cond3A_61 = arith.constant 0 : i32
    %cond3A_62 = arith.cmpi ne, %convert_element_type3A_60, %cond3A_61 : i32
    scf.if %cond3A_62 {
      "tpu.region"() ({
        %run_scoped3A = tpu.sem_alloc : memref<!tpu.dma_semaphore, #tpu.memory_space<semaphore_mem>>
        %dma_start3A_130 = arith.constant 0 : i32
        %dma_start3A_131 = arith.constant 0 : i32
        %dma_start3A_132 = tpu.memref_slice %arg7[%add3A_57, %dma_start3A_130, %dma_start3A_131] : memref<80x1x128xi32, #tpu.memory_space<hbm>> -> memref<1x1x128xi32, #tpu.memory_space<hbm>>
        %dma_start3A_133 = tpu.memref_squeeze %dma_start3A_132 : memref<1x1x128xi32, #tpu.memory_space<hbm>> -> memref<1x128xi32, #tpu.memory_space<hbm>>
        %dma_start3A_134 = arith.constant 0 : i32
        %dma_start3A_135 = arith.constant 0 : i32
        %dma_start3A_136 = tpu.memref_slice %arg7[%add3A_57, %dma_start3A_134, %dma_start3A_135] : memref<80x1x128xi32, #tpu.memory_space<hbm>> -> memref<1x1x128xi32, #tpu.memory_space<hbm>>
        %dma_start3A_137 = tpu.memref_squeeze %dma_start3A_136 : memref<1x1x128xi32, #tpu.memory_space<hbm>> -> memref<1x128xi32, #tpu.memory_space<hbm>>
        tpu.enqueue_dma source(%dma_start3A_137 : memref<1x128xi32, #tpu.memory_space<hbm>>) target(%arg17 : memref<1x128xi32, #tpu.memory_space<vmem>>) target_semaphore(%run_scoped3A : memref<!tpu.dma_semaphore, #tpu.memory_space<semaphore_mem>>)
        %dma_wait3A_138 = arith.constant 0 : i32
        %dma_wait3A_139 = arith.constant 0 : i32
        %dma_wait3A_140 = tpu.memref_slice %arg7[%add3A_57, %dma_wait3A_138, %dma_wait3A_139] : memref<80x1x128xi32, #tpu.memory_space<hbm>> -> memref<1x1x128xi32, #tpu.memory_space<hbm>>
        %dma_wait3A_141 = tpu.memref_squeeze %dma_wait3A_140 : memref<1x1x128xi32, #tpu.memory_space<hbm>> -> memref<1x128xi32, #tpu.memory_space<hbm>>
        %dma_wait3A_142 = arith.constant 0 : i32
        %dma_wait3A_143 = arith.constant 0 : i32
        %dma_wait3A_144 = tpu.memref_slice %arg7[%add3A_57, %dma_wait3A_142, %dma_wait3A_143] : memref<80x1x128xi32, #tpu.memory_space<hbm>> -> memref<1x1x128xi32, #tpu.memory_space<hbm>>
        %dma_wait3A_145 = tpu.memref_squeeze %dma_wait3A_144 : memref<1x1x128xi32, #tpu.memory_space<hbm>> -> memref<1x128xi32, #tpu.memory_space<hbm>>
        tpu.wait_dma2 semaphore(%run_scoped3A : memref<!tpu.dma_semaphore, #tpu.memory_space<semaphore_mem>>) src(%dma_wait3A_145 : memref<1x128xi32, #tpu.memory_space<hbm>>) dst(%arg17 : memref<1x128xi32, #tpu.memory_space<vmem>>)
        tpu.yield
      }) : () -> ()
      %dma_start3A = arith.constant 0 : i32
      %dma_start3A_116 = arith.constant 0 : i32
      %dma_start3A_117 = tpu.memref_slice %arg17[%dma_start3A, %dma_start3A_116] : memref<1x128xi32, #tpu.memory_space<vmem>> -> memref<1x128xi32, #tpu.memory_space<vmem>>
      %dma_start3A_118 = tpu.memref_squeeze %dma_start3A_117 : memref<1x128xi32, #tpu.memory_space<vmem>> -> memref<128xi32, #tpu.memory_space<vmem>>
      %dma_start3A_119 = arith.constant 0 : i32
      %dma_start3A_120 = arith.constant 0 : i32
      %dma_start3A_121 = tpu.memref_slice %arg6[%dma_start3A_119, %dma_start3A_120] : memref<20000x128xf32, #tpu.memory_space<hbm>> -> memref<20000x128xf32, #tpu.memory_space<hbm>>
      tpu.enqueue_indirect_dma source(%dma_start3A_121 : memref<20000x128xf32, #tpu.memory_space<hbm>>) target(%arg11 : memref<128x128xf32, #tpu.memory_space<vmem>>) offsets(%dma_start3A_118 : memref<128xi32, #tpu.memory_space<vmem>>) semaphore(%arg18 : memref<!tpu.dma_semaphore, #tpu.memory_space<semaphore_mem>>)
      %dma_wait3A = arith.constant 0 : i32
      %dma_wait3A_122 = arith.constant 0 : i32
      %dma_wait3A_123 = tpu.memref_slice %arg17[%dma_wait3A, %dma_wait3A_122] : memref<1x128xi32, #tpu.memory_space<vmem>> -> memref<1x128xi32, #tpu.memory_space<vmem>>
      %dma_wait3A_124 = tpu.memref_squeeze %dma_wait3A_123 : memref<1x128xi32, #tpu.memory_space<vmem>> -> memref<128xi32, #tpu.memory_space<vmem>>
      %dma_wait3A_125 = arith.constant 0 : i32
      %dma_wait3A_126 = arith.constant 0 : i32
      %dma_wait3A_127 = tpu.memref_slice %arg6[%dma_wait3A_125, %dma_wait3A_126] : memref<20000x128xf32, #tpu.memory_space<hbm>> -> memref<20000x128xf32, #tpu.memory_space<hbm>>
      tpu.wait_indirect_dma semaphore(%arg18 : memref<!tpu.dma_semaphore, #tpu.memory_space<semaphore_mem>>) src(%dma_wait3A_127 : memref<20000x128xf32, #tpu.memory_space<hbm>>) dst(%arg11 : memref<128x128xf32, #tpu.memory_space<vmem>>)
      %mul3A_128 = arith.constant 128 : i32
      %mul3A_129 = arith.muli %add3A_57, %mul3A_128 : i32
      "tpu.region"() ({
        %run_scoped3A = tpu.sem_alloc : memref<!tpu.dma_semaphore, #tpu.memory_space<semaphore_mem>>
        %dma_start3A_130 = arith.constant 0 : i32
        %dma_start3A_131 = tpu.memref_slice %arg10[%mul3A_129, %dma_start3A_130] : memref<10240x128xf32, #tpu.memory_space<hbm>> -> memref<128x128xf32, #tpu.memory_space<hbm>>
        %dma_start3A_132 = arith.constant 0 : i32
        %dma_start3A_133 = tpu.memref_slice %arg10[%mul3A_129, %dma_start3A_132] : memref<10240x128xf32, #tpu.memory_space<hbm>> -> memref<128x128xf32, #tpu.memory_space<hbm>>
        tpu.enqueue_dma source(%arg11 : memref<128x128xf32, #tpu.memory_space<vmem>>) target(%dma_start3A_133 : memref<128x128xf32, #tpu.memory_space<hbm>>) target_semaphore(%run_scoped3A : memref<!tpu.dma_semaphore, #tpu.memory_space<semaphore_mem>>)
        %dma_wait3A_134 = arith.constant 0 : i32
        %dma_wait3A_135 = tpu.memref_slice %arg10[%mul3A_129, %dma_wait3A_134] : memref<10240x128xf32, #tpu.memory_space<hbm>> -> memref<128x128xf32, #tpu.memory_space<hbm>>
        %dma_wait3A_136 = arith.constant 0 : i32
        %dma_wait3A_137 = tpu.memref_slice %arg10[%mul3A_129, %dma_wait3A_136] : memref<10240x128xf32, #tpu.memory_space<hbm>> -> memref<128x128xf32, #tpu.memory_space<hbm>>
        tpu.wait_dma2 semaphore(%run_scoped3A : memref<!tpu.dma_semaphore, #tpu.memory_space<semaphore_mem>>) src(%arg11 : memref<128x128xf32, #tpu.memory_space<vmem>>) dst(%dma_wait3A_137 : memref<128x128xf32, #tpu.memory_space<hbm>>)
        tpu.yield
      }) : () -> ()
    } else {
    }
    %add3A_63 = arith.constant 64 : i32
    %add3A_64 = arith.addi %add3A, %add3A_63 : i32
    %lt3A_65 = arith.constant 80 : i32
    %lt3A_66 = arith.cmpi slt, %add3A_64, %lt3A_65 : i32
    %convert_element_type3A_67 = arith.extui %lt3A_66 : i1 to i32
    %cond3A_68 = arith.constant 0 : i32
    %cond3A_69 = arith.cmpi ne, %convert_element_type3A_67, %cond3A_68 : i32
    scf.if %cond3A_69 {
      "tpu.region"() ({
        %run_scoped3A = tpu.sem_alloc : memref<!tpu.dma_semaphore, #tpu.memory_space<semaphore_mem>>
        %dma_start3A_130 = arith.constant 0 : i32
        %dma_start3A_131 = arith.constant 0 : i32
        %dma_start3A_132 = tpu.memref_slice %arg7[%add3A_64, %dma_start3A_130, %dma_start3A_131] : memref<80x1x128xi32, #tpu.memory_space<hbm>> -> memref<1x1x128xi32, #tpu.memory_space<hbm>>
        %dma_start3A_133 = tpu.memref_squeeze %dma_start3A_132 : memref<1x1x128xi32, #tpu.memory_space<hbm>> -> memref<1x128xi32, #tpu.memory_space<hbm>>
        %dma_start3A_134 = arith.constant 0 : i32
        %dma_start3A_135 = arith.constant 0 : i32
        %dma_start3A_136 = tpu.memref_slice %arg7[%add3A_64, %dma_start3A_134, %dma_start3A_135] : memref<80x1x128xi32, #tpu.memory_space<hbm>> -> memref<1x1x128xi32, #tpu.memory_space<hbm>>
        %dma_start3A_137 = tpu.memref_squeeze %dma_start3A_136 : memref<1x1x128xi32, #tpu.memory_space<hbm>> -> memref<1x128xi32, #tpu.memory_space<hbm>>
        tpu.enqueue_dma source(%dma_start3A_137 : memref<1x128xi32, #tpu.memory_space<hbm>>) target(%arg17 : memref<1x128xi32, #tpu.memory_space<vmem>>) target_semaphore(%run_scoped3A : memref<!tpu.dma_semaphore, #tpu.memory_space<semaphore_mem>>)
        %dma_wait3A_138 = arith.constant 0 : i32
        %dma_wait3A_139 = arith.constant 0 : i32
        %dma_wait3A_140 = tpu.memref_slice %arg7[%add3A_64, %dma_wait3A_138, %dma_wait3A_139] : memref<80x1x128xi32, #tpu.memory_space<hbm>> -> memref<1x1x128xi32, #tpu.memory_space<hbm>>
        %dma_wait3A_141 = tpu.memref_squeeze %dma_wait3A_140 : memref<1x1x128xi32, #tpu.memory_space<hbm>> -> memref<1x128xi32, #tpu.memory_space<hbm>>
        %dma_wait3A_142 = arith.constant 0 : i32
        %dma_wait3A_143 = arith.constant 0 : i32
        %dma_wait3A_144 = tpu.memref_slice %arg7[%add3A_64, %dma_wait3A_142, %dma_wait3A_143] : memref<80x1x128xi32, #tpu.memory_space<hbm>> -> memref<1x1x128xi32, #tpu.memory_space<hbm>>
        %dma_wait3A_145 = tpu.memref_squeeze %dma_wait3A_144 : memref<1x1x128xi32, #tpu.memory_space<hbm>> -> memref<1x128xi32, #tpu.memory_space<hbm>>
        tpu.wait_dma2 semaphore(%run_scoped3A : memref<!tpu.dma_semaphore, #tpu.memory_space<semaphore_mem>>) src(%dma_wait3A_145 : memref<1x128xi32, #tpu.memory_space<hbm>>) dst(%arg17 : memref<1x128xi32, #tpu.memory_space<vmem>>)
        tpu.yield
      }) : () -> ()
      %dma_start3A = arith.constant 0 : i32
      %dma_start3A_116 = arith.constant 0 : i32
      %dma_start3A_117 = tpu.memref_slice %arg17[%dma_start3A, %dma_start3A_116] : memref<1x128xi32, #tpu.memory_space<vmem>> -> memref<1x128xi32, #tpu.memory_space<vmem>>
      %dma_start3A_118 = tpu.memref_squeeze %dma_start3A_117 : memref<1x128xi32, #tpu.memory_space<vmem>> -> memref<128xi32, #tpu.memory_space<vmem>>
      %dma_start3A_119 = arith.constant 0 : i32
      %dma_start3A_120 = arith.constant 0 : i32
      %dma_start3A_121 = tpu.memref_slice %arg6[%dma_start3A_119, %dma_start3A_120] : memref<20000x128xf32, #tpu.memory_space<hbm>> -> memref<20000x128xf32, #tpu.memory_space<hbm>>
      tpu.enqueue_indirect_dma source(%dma_start3A_121 : memref<20000x128xf32, #tpu.memory_space<hbm>>) target(%arg11 : memref<128x128xf32, #tpu.memory_space<vmem>>) offsets(%dma_start3A_118 : memref<128xi32, #tpu.memory_space<vmem>>) semaphore(%arg18 : memref<!tpu.dma_semaphore, #tpu.memory_space<semaphore_mem>>)
      %dma_wait3A = arith.constant 0 : i32
      %dma_wait3A_122 = arith.constant 0 : i32
      %dma_wait3A_123 = tpu.memref_slice %arg17[%dma_wait3A, %dma_wait3A_122] : memref<1x128xi32, #tpu.memory_space<vmem>> -> memref<1x128xi32, #tpu.memory_space<vmem>>
      %dma_wait3A_124 = tpu.memref_squeeze %dma_wait3A_123 : memref<1x128xi32, #tpu.memory_space<vmem>> -> memref<128xi32, #tpu.memory_space<vmem>>
      %dma_wait3A_125 = arith.constant 0 : i32
      %dma_wait3A_126 = arith.constant 0 : i32
      %dma_wait3A_127 = tpu.memref_slice %arg6[%dma_wait3A_125, %dma_wait3A_126] : memref<20000x128xf32, #tpu.memory_space<hbm>> -> memref<20000x128xf32, #tpu.memory_space<hbm>>
      tpu.wait_indirect_dma semaphore(%arg18 : memref<!tpu.dma_semaphore, #tpu.memory_space<semaphore_mem>>) src(%dma_wait3A_127 : memref<20000x128xf32, #tpu.memory_space<hbm>>) dst(%arg11 : memref<128x128xf32, #tpu.memory_space<vmem>>)
      %mul3A_128 = arith.constant 128 : i32
      %mul3A_129 = arith.muli %add3A_64, %mul3A_128 : i32
      "tpu.region"() ({
        %run_scoped3A = tpu.sem_alloc : memref<!tpu.dma_semaphore, #tpu.memory_space<semaphore_mem>>
        %dma_start3A_130 = arith.constant 0 : i32
        %dma_start3A_131 = tpu.memref_slice %arg10[%mul3A_129, %dma_start3A_130] : memref<10240x128xf32, #tpu.memory_space<hbm>> -> memref<128x128xf32, #tpu.memory_space<hbm>>
        %dma_start3A_132 = arith.constant 0 : i32
        %dma_start3A_133 = tpu.memref_slice %arg10[%mul3A_129, %dma_start3A_132] : memref<10240x128xf32, #tpu.memory_space<hbm>> -> memref<128x128xf32, #tpu.memory_space<hbm>>
        tpu.enqueue_dma source(%arg11 : memref<128x128xf32, #tpu.memory_space<vmem>>) target(%dma_start3A_133 : memref<128x128xf32, #tpu.memory_space<hbm>>) target_semaphore(%run_scoped3A : memref<!tpu.dma_semaphore, #tpu.memory_space<semaphore_mem>>)
        %dma_wait3A_134 = arith.constant 0 : i32
        %dma_wait3A_135 = tpu.memref_slice %arg10[%mul3A_129, %dma_wait3A_134] : memref<10240x128xf32, #tpu.memory_space<hbm>> -> memref<128x128xf32, #tpu.memory_space<hbm>>
        %dma_wait3A_136 = arith.constant 0 : i32
        %dma_wait3A_137 = tpu.memref_slice %arg10[%mul3A_129, %dma_wait3A_136] : memref<10240x128xf32, #tpu.memory_space<hbm>> -> memref<128x128xf32, #tpu.memory_space<hbm>>
        tpu.wait_dma2 semaphore(%run_scoped3A : memref<!tpu.dma_semaphore, #tpu.memory_space<semaphore_mem>>) src(%arg11 : memref<128x128xf32, #tpu.memory_space<vmem>>) dst(%dma_wait3A_137 : memref<128x128xf32, #tpu.memory_space<hbm>>)
        tpu.yield
      }) : () -> ()
    } else {
    }
    %barrier3A_70 = arith.constant 0 : index
    tpu.barrier barrier_id(%barrier3A_70)
    %scan3A_71 = arith.constant 0 : i32
    %scan3A_72 = arith.constant 0 : i32
    %scan3A_73 = arith.constant 5 : i32
    %scan3A_74 = arith.addi %scan3A_72, %scan3A_73 : i32
    %scan3A_75 = arith.constant 1 : i32
    %scan3A_76 = scf.for %scan3A_116 = %scan3A_72 to %scan3A_74 step %scan3A_75 iter_args(%scan3A_117 = %scan3A_71) -> (i32)  : i32 {
      %mul3A_118 = arith.constant 640 : i32
      %mul3A_119 = arith.muli %arg1, %mul3A_118 : i32
      %mul3A_120 = arith.constant 128 : i32
      %mul3A_121 = arith.muli %scan3A_116, %mul3A_120 : i32
      %add3A_122 = arith.addi %mul3A_119, %mul3A_121 : i32
      "tpu.region"() ({
        %run_scoped3A = tpu.sem_alloc : memref<!tpu.dma_semaphore, #tpu.memory_space<semaphore_mem>>
        %dma_start3A = arith.constant 0 : i32
        %dma_start3A_124 = tpu.memref_slice %arg8[%arg0, %add3A_122, %dma_start3A] : memref<2x10240x128xf32, #tpu.memory_space<hbm>> -> memref<1x128x128xf32, #tpu.memory_space<hbm>>
        %dma_start3A_125 = tpu.memref_squeeze %dma_start3A_124 : memref<1x128x128xf32, #tpu.memory_space<hbm>> -> memref<128x128xf32, #tpu.memory_space<hbm>>
        %dma_start3A_126 = arith.constant 0 : i32
        %dma_start3A_127 = tpu.memref_slice %arg13[%add3A_122, %dma_start3A_126] : memref<10240x128xf32, #tpu.memory_space<vmem_shared>> -> memref<128x128xf32, #tpu.memory_space<vmem_shared>>
        tpu.enqueue_dma source(%dma_start3A_127 : memref<128x128xf32, #tpu.memory_space<vmem_shared>>) target(%dma_start3A_125 : memref<128x128xf32, #tpu.memory_space<hbm>>) target_semaphore(%run_scoped3A : memref<!tpu.dma_semaphore, #tpu.memory_space<semaphore_mem>>)
        %dma_wait3A = arith.constant 0 : i32
        %dma_wait3A_128 = tpu.memref_slice %arg8[%arg0, %add3A_122, %dma_wait3A] : memref<2x10240x128xf32, #tpu.memory_space<hbm>> -> memref<1x128x128xf32, #tpu.memory_space<hbm>>
        %dma_wait3A_129 = tpu.memref_squeeze %dma_wait3A_128 : memref<1x128x128xf32, #tpu.memory_space<hbm>> -> memref<128x128xf32, #tpu.memory_space<hbm>>
        %dma_wait3A_130 = arith.constant 0 : i32
        %dma_wait3A_131 = tpu.memref_slice %arg13[%add3A_122, %dma_wait3A_130] : memref<10240x128xf32, #tpu.memory_space<vmem_shared>> -> memref<128x128xf32, #tpu.memory_space<vmem_shared>>
        tpu.wait_dma2 semaphore(%run_scoped3A : memref<!tpu.dma_semaphore, #tpu.memory_space<semaphore_mem>>) src(%dma_wait3A_131 : memref<128x128xf32, #tpu.memory_space<vmem_shared>>) dst(%dma_wait3A_129 : memref<128x128xf32, #tpu.memory_space<hbm>>)
        tpu.yield
      }) : () -> ()
      %scan3A_123 = arith.constant 0 : i32
      scf.yield %scan3A_123 : i32
    }
    %scan3A_77 = arith.constant 5 : i32
    %barrier3A_78 = arith.constant 0 : index
    tpu.barrier barrier_id(%barrier3A_78)
    %scan3A_79 = arith.constant 0 : i32
    %scan3A_80 = arith.constant 0 : i32
    %scan3A_81 = arith.constant 1024 : i32
    %scan3A_82 = arith.addi %scan3A_80, %scan3A_81 : i32
    %scan3A_83 = arith.constant 1 : i32
    %scan3A_84 = scf.for %scan3A_116 = %scan3A_80 to %scan3A_82 step %scan3A_83 iter_args(%scan3A_117 = %scan3A_79) -> (i32)  : i32 {
      %jit3A_118 = arith.constant 8 : i32
      %div3A_119 = arith.divsi %scan3A_116, %jit3A_118 : i32
      %sign3A_120 = arith.constant 0 : i32
      %sign3A_121 = arith.cmpi sgt, %scan3A_116, %sign3A_120 : i32
      %sign3A_122 = arith.extui %sign3A_121 : i1 to i32
      %sign3A_123 = arith.constant 0 : i32
      %sign3A_124 = arith.cmpi slt, %scan3A_116, %sign3A_123 : i32
      %sign3A_125 = arith.extui %sign3A_124 : i1 to i32
      %sign3A_126 = arith.subi %sign3A_122, %sign3A_125 : i32
      %sign3A_127 = arith.constant 0 : i32
      %sign3A_128 = arith.cmpi sgt, %jit3A_118, %sign3A_127 : i32
      %sign3A_129 = arith.extui %sign3A_128 : i1 to i32
      %sign3A_130 = arith.constant 0 : i32
      %sign3A_131 = arith.cmpi slt, %jit3A_118, %sign3A_130 : i32
      %sign3A_132 = arith.extui %sign3A_131 : i1 to i32
      %sign3A_133 = arith.subi %sign3A_129, %sign3A_132 : i32
      %ne3A_134 = arith.cmpi ne, %sign3A_126, %sign3A_133 : i32
      %rem3A_135 = arith.remsi %scan3A_116, %jit3A_118 : i32
      %ne3A_136 = arith.constant 0 : i32
      %ne3A_137 = arith.cmpi ne, %rem3A_135, %ne3A_136 : i32
      %and3A_138 = arith.andi %ne3A_134, %ne3A_137 : i1
      %sub3A_139 = arith.constant 1 : i32
      %sub3A_140 = arith.subi %div3A_119, %sub3A_139 : i32
      %select_n3A_141 = arith.select %and3A_138, %sub3A_140, %div3A_119 : i32
      %jit3A_142 = arith.constant 8 : i32
      %eq3A_143 = arith.constant 0 : i32
      %eq3A_144 = arith.cmpi eq, %jit3A_142, %eq3A_143 : i32
      %jit3A_145 = arith.constant 1 : i32
      %select_n3A_146 = arith.select %eq3A_144, %jit3A_145, %jit3A_142 : i32
      %rem3A_147 = arith.remsi %scan3A_116, %select_n3A_146 : i32
      %ne3A_148 = arith.constant 0 : i32
      %ne3A_149 = arith.cmpi ne, %rem3A_147, %ne3A_148 : i32
      %lt3A_150 = arith.constant 0 : i32
      %lt3A_151 = arith.cmpi slt, %rem3A_147, %lt3A_150 : i32
      %lt3A_152 = arith.constant 0 : i32
      %lt3A_153 = arith.cmpi slt, %select_n3A_146, %lt3A_152 : i32
      %ne3A_154 = arith.xori %lt3A_151, %lt3A_153 : i1
      %and3A_155 = arith.andi %ne3A_154, %ne3A_149 : i1
      %add3A_156 = arith.addi %rem3A_147, %select_n3A_146 : i32
      %select_n3A_157 = arith.select %and3A_155, %add3A_156, %rem3A_147 : i32
      %mul3A_158 = arith.constant 16 : i32
      %mul3A_159 = arith.muli %select_n3A_157, %mul3A_158 : i32
      %broadcast_in_dim3A = arith.constant 0.000000e+00 : f32
      %broadcast_in_dim3A_160 = vector.broadcast %broadcast_in_dim3A : f32 to vector<16xf32>
      %swap3A = arith.index_cast %select_n3A_141 : i32 to index
      %swap3A_161 = arith.index_cast %mul3A_159 : i32 to index
      %swap3A_162 = tpu.vector_load %arg11[%swap3A, %swap3A_161] {strides = array<i32>} : memref<128x128xf32, #tpu.memory_space<vmem>>, vector<1x16xf32>,
      %swap3A_163 = vector.shape_cast %swap3A_162 : vector<1x16xf32> to vector<16xf32>
      %swap3A_164 = vector.shape_cast %broadcast_in_dim3A_160 : vector<16xf32> to vector<1x16xf32>
      tpu.vector_store %arg11[%swap3A, %swap3A_161], %swap3A_164 {strides = array<i32>} : memref<128x128xf32, #tpu.memory_space<vmem>>, vector<1x16xf32>,
      %scan3A_165 = arith.constant 0 : i32
      scf.yield %scan3A_165 : i32
    }
    %scan3A_85 = arith.constant 1024 : i32
    %scan3A_86 = arith.constant 0 : i32
    %scan3A_87 = arith.constant 0 : i32
    %scan3A_88 = arith.constant 5 : i32
    %scan3A_89 = arith.addi %scan3A_87, %scan3A_88 : i32
    %scan3A_90 = arith.constant 1 : i32
    %scan3A_91 = scf.for %scan3A_116 = %scan3A_87 to %scan3A_89 step %scan3A_90 iter_args(%scan3A_117 = %scan3A_86) -> (i32)  : i32 {
      %mul3A_118 = arith.constant 640 : i32
      %mul3A_119 = arith.muli %arg1, %mul3A_118 : i32
      %mul3A_120 = arith.constant 128 : i32
      %mul3A_121 = arith.muli %scan3A_116, %mul3A_120 : i32
      %add3A_122 = arith.addi %mul3A_119, %mul3A_121 : i32
      "tpu.region"() ({
        %run_scoped3A = tpu.sem_alloc : memref<!tpu.dma_semaphore, #tpu.memory_space<semaphore_mem>>
        %dma_start3A = arith.constant 0 : i32
        %dma_start3A_124 = tpu.memref_slice %arg13[%add3A_122, %dma_start3A] : memref<10240x128xf32, #tpu.memory_space<vmem_shared>> -> memref<128x128xf32, #tpu.memory_space<vmem_shared>>
        %dma_start3A_125 = arith.constant 0 : i32
        %dma_start3A_126 = tpu.memref_slice %arg13[%add3A_122, %dma_start3A_125] : memref<10240x128xf32, #tpu.memory_space<vmem_shared>> -> memref<128x128xf32, #tpu.memory_space<vmem_shared>>
        tpu.enqueue_dma source(%arg11 : memref<128x128xf32, #tpu.memory_space<vmem>>) target(%dma_start3A_126 : memref<128x128xf32, #tpu.memory_space<vmem_shared>>) target_semaphore(%run_scoped3A : memref<!tpu.dma_semaphore, #tpu.memory_space<semaphore_mem>>)
        %dma_wait3A = arith.constant 0 : i32
        %dma_wait3A_127 = tpu.memref_slice %arg13[%add3A_122, %dma_wait3A] : memref<10240x128xf32, #tpu.memory_space<vmem_shared>> -> memref<128x128xf32, #tpu.memory_space<vmem_shared>>
        %dma_wait3A_128 = arith.constant 0 : i32
        %dma_wait3A_129 = tpu.memref_slice %arg13[%add3A_122, %dma_wait3A_128] : memref<10240x128xf32, #tpu.memory_space<vmem_shared>> -> memref<128x128xf32, #tpu.memory_space<vmem_shared>>
        tpu.wait_dma2 semaphore(%run_scoped3A : memref<!tpu.dma_semaphore, #tpu.memory_space<semaphore_mem>>) src(%arg11 : memref<128x128xf32, #tpu.memory_space<vmem>>) dst(%dma_wait3A_129 : memref<128x128xf32, #tpu.memory_space<vmem_shared>>)
        tpu.yield
      }) : () -> ()
      %scan3A_123 = arith.constant 0 : i32
      scf.yield %scan3A_123 : i32
    }
    %scan3A_92 = arith.constant 5 : i32
    %barrier3A_93 = arith.constant 0 : index
    tpu.barrier barrier_id(%barrier3A_93)
    %scan3A_94 = arith.constant 0 : i32
    %scan3A_95 = arith.constant 0 : i32
    %scan3A_96 = arith.constant 1024 : i32
    %scan3A_97 = arith.addi %scan3A_95, %scan3A_96 : i32
    %scan3A_98 = arith.constant 1 : i32
    %scan3A_99 = scf.for %scan3A_116 = %scan3A_95 to %scan3A_97 step %scan3A_98 iter_args(%scan3A_117 = %scan3A_94) -> (i32)  : i32 {
      %jit3A_118 = arith.constant 8 : i32
      %div3A_119 = arith.divsi %scan3A_116, %jit3A_118 : i32
      %sign3A_120 = arith.constant 0 : i32
      %sign3A_121 = arith.cmpi sgt, %scan3A_116, %sign3A_120 : i32
      %sign3A_122 = arith.extui %sign3A_121 : i1 to i32
      %sign3A_123 = arith.constant 0 : i32
      %sign3A_124 = arith.cmpi slt, %scan3A_116, %sign3A_123 : i32
      %sign3A_125 = arith.extui %sign3A_124 : i1 to i32
      %sign3A_126 = arith.subi %sign3A_122, %sign3A_125 : i32
      %sign3A_127 = arith.constant 0 : i32
      %sign3A_128 = arith.cmpi sgt, %jit3A_118, %sign3A_127 : i32
      %sign3A_129 = arith.extui %sign3A_128 : i1 to i32
      %sign3A_130 = arith.constant 0 : i32
      %sign3A_131 = arith.cmpi slt, %jit3A_118, %sign3A_130 : i32
      %sign3A_132 = arith.extui %sign3A_131 : i1 to i32
      %sign3A_133 = arith.subi %sign3A_129, %sign3A_132 : i32
      %ne3A_134 = arith.cmpi ne, %sign3A_126, %sign3A_133 : i32
      %rem3A_135 = arith.remsi %scan3A_116, %jit3A_118 : i32
      %ne3A_136 = arith.constant 0 : i32
      %ne3A_137 = arith.cmpi ne, %rem3A_135, %ne3A_136 : i32
      %and3A_138 = arith.andi %ne3A_134, %ne3A_137 : i1
      %sub3A_139 = arith.constant 1 : i32
      %sub3A_140 = arith.subi %div3A_119, %sub3A_139 : i32
      %select_n3A_141 = arith.select %and3A_138, %sub3A_140, %div3A_119 : i32
      %jit3A_142 = arith.constant 8 : i32
      %eq3A_143 = arith.constant 0 : i32
      %eq3A_144 = arith.cmpi eq, %jit3A_142, %eq3A_143 : i32
      %jit3A_145 = arith.constant 1 : i32
      %select_n3A_146 = arith.select %eq3A_144, %jit3A_145, %jit3A_142 : i32
      %rem3A_147 = arith.remsi %scan3A_116, %select_n3A_146 : i32
      %ne3A_148 = arith.constant 0 : i32
      %ne3A_149 = arith.cmpi ne, %rem3A_147, %ne3A_148 : i32
      %lt3A_150 = arith.constant 0 : i32
      %lt3A_151 = arith.cmpi slt, %rem3A_147, %lt3A_150 : i32
      %lt3A_152 = arith.constant 0 : i32
      %lt3A_153 = arith.cmpi slt, %select_n3A_146, %lt3A_152 : i32
      %ne3A_154 = arith.xori %lt3A_151, %lt3A_153 : i1
      %and3A_155 = arith.andi %ne3A_154, %ne3A_149 : i1
      %add3A_156 = arith.addi %rem3A_147, %select_n3A_146 : i32
      %select_n3A_157 = arith.select %and3A_155, %add3A_156, %rem3A_147 : i32
      %mul3A_158 = arith.constant 16 : i32
      %mul3A_159 = arith.muli %select_n3A_157, %mul3A_158 : i32
      %broadcast_in_dim3A = arith.constant 1.000000e+00 : f32
      %broadcast_in_dim3A_160 = vector.broadcast %broadcast_in_dim3A : f32 to vector<16xf32>
      %swap3A = arith.index_cast %select_n3A_141 : i32 to index
      %swap3A_161 = arith.index_cast %mul3A_159 : i32 to index
      %swap3A_162 = tpu.vector_load %arg11[%swap3A, %swap3A_161] {strides = array<i32>} : memref<128x128xf32, #tpu.memory_space<vmem>>, vector<1x16xf32>,
      %swap3A_163 = vector.shape_cast %swap3A_162 : vector<1x16xf32> to vector<16xf32>
      %swap3A_164 = vector.shape_cast %broadcast_in_dim3A_160 : vector<16xf32> to vector<1x16xf32>
      tpu.vector_store %arg11[%swap3A, %swap3A_161], %swap3A_164 {strides = array<i32>} : memref<128x128xf32, #tpu.memory_space<vmem>>, vector<1x16xf32>,
      %scan3A_165 = arith.constant 0 : i32
      scf.yield %scan3A_165 : i32
    }
    %scan3A_100 = arith.constant 1024 : i32
    %scan3A_101 = arith.constant 0 : i32
    %scan3A_102 = arith.constant 0 : i32
    %scan3A_103 = arith.constant 16 : i32
    %scan3A_104 = arith.addi %scan3A_102, %scan3A_103 : i32
    %scan3A_105 = arith.constant 1 : i32
    %scan3A_106 = scf.for %scan3A_116 = %scan3A_102 to %scan3A_104 step %scan3A_105 iter_args(%scan3A_117 = %scan3A_101) -> (i32)  : i32 {
      %lt3A_118 = arith.cmpi slt, %scan3A_116, %select_n3A_31 : i32
      %convert_element_type3A_119 = arith.extui %lt3A_118 : i1 to i32
      %cond3A_120 = arith.constant 0 : i32
      %cond3A_121 = arith.cmpi ne, %convert_element_type3A_119, %cond3A_120 : i32
      scf.if %cond3A_121 {
        %mul3A_123 = arith.constant 8 : i32
        %mul3A_124 = arith.muli %scan3A_116, %mul3A_123 : i32
        %add3A_125 = arith.addi %select_n3A_13, %mul3A_124 : i32
        "tpu.region"() ({
          %run_scoped3A = tpu.sem_alloc : memref<!tpu.dma_semaphore, #tpu.memory_space<semaphore_mem>>
          %dma_start3A = arith.constant 0 : i32
          %dma_start3A_133 = tpu.memref_slice %arg5[%add3A_125, %dma_start3A] : memref<2560x128xi32, #tpu.memory_space<hbm>> -> memref<8x128xi32, #tpu.memory_space<hbm>>
          %dma_start3A_134 = arith.constant 0 : i32
          %dma_start3A_135 = tpu.memref_slice %arg5[%add3A_125, %dma_start3A_134] : memref<2560x128xi32, #tpu.memory_space<hbm>> -> memref<8x128xi32, #tpu.memory_space<hbm>>
          tpu.enqueue_dma source(%dma_start3A_135 : memref<8x128xi32, #tpu.memory_space<hbm>>) target(%arg16 : memref<8x128xi32, #tpu.memory_space<vmem>>) target_semaphore(%run_scoped3A : memref<!tpu.dma_semaphore, #tpu.memory_space<semaphore_mem>>)
          %dma_wait3A = arith.constant 0 : i32
          %dma_wait3A_136 = tpu.memref_slice %arg5[%add3A_125, %dma_wait3A] : memref<2560x128xi32, #tpu.memory_space<hbm>> -> memref<8x128xi32, #tpu.memory_space<hbm>>
          %dma_wait3A_137 = arith.constant 0 : i32
          %dma_wait3A_138 = tpu.memref_slice %arg5[%add3A_125, %dma_wait3A_137] : memref<2560x128xi32, #tpu.memory_space<hbm>> -> memref<8x128xi32, #tpu.memory_space<hbm>>
          tpu.wait_dma2 semaphore(%run_scoped3A : memref<!tpu.dma_semaphore, #tpu.memory_space<semaphore_mem>>) src(%dma_wait3A_138 : memref<8x128xi32, #tpu.memory_space<hbm>>) dst(%arg16 : memref<8x128xi32, #tpu.memory_space<vmem>>)
          tpu.yield
        }) : () -> ()
        %scan3A_126 = arith.constant 0 : i32
        %scan3A_127 = arith.constant 0 : i32
        %scan3A_128 = arith.constant 8 : i32
        %scan3A_129 = arith.addi %scan3A_127, %scan3A_128 : i32
        %scan3A_130 = arith.constant 1 : i32
        %scan3A_131 = scf.for %scan3A_133 = %scan3A_127 to %scan3A_129 step %scan3A_130 iter_args(%scan3A_134 = %scan3A_126) -> (i32)  : i32 {
          "tpu.region"() ({
            %run_scoped3A = tpu.sem_alloc : memref<!tpu.dma_semaphore, #tpu.memory_space<semaphore_mem>>
            %dma_start3A = arith.constant 0 : i32
            %dma_start3A_136 = tpu.memref_slice %arg16[%scan3A_133, %dma_start3A] : memref<8x128xi32, #tpu.memory_space<vmem>> -> memref<1x128xi32, #tpu.memory_space<vmem>>
            %dma_start3A_137 = tpu.memref_squeeze %dma_start3A_136 : memref<1x128xi32, #tpu.memory_space<vmem>> -> memref<128xi32, #tpu.memory_space<vmem>>
            %dma_start3A_138 = arith.constant 0 : i32
            %dma_start3A_139 = arith.constant 0 : i32
            %dma_start3A_140 = tpu.memref_slice %arg13[%dma_start3A_138, %dma_start3A_139] : memref<10240x128xf32, #tpu.memory_space<vmem_shared>> -> memref<10240x128xf32, #tpu.memory_space<vmem_shared>>
            tpu.enqueue_indirect_dma source(%arg11 : memref<128x128xf32, #tpu.memory_space<vmem>>) target(%dma_start3A_140 : memref<10240x128xf32, #tpu.memory_space<vmem_shared>>) offsets(%dma_start3A_137 : memref<128xi32, #tpu.memory_space<vmem>>) semaphore(%run_scoped3A : memref<!tpu.dma_semaphore, #tpu.memory_space<semaphore_mem>>) {add = true}
            %dma_wait3A = arith.constant 0 : i32
            %dma_wait3A_141 = tpu.memref_slice %arg16[%scan3A_133, %dma_wait3A] : memref<8x128xi32, #tpu.memory_space<vmem>> -> memref<1x128xi32, #tpu.memory_space<vmem>>
            %dma_wait3A_142 = tpu.memref_squeeze %dma_wait3A_141 : memref<1x128xi32, #tpu.memory_space<vmem>> -> memref<128xi32, #tpu.memory_space<vmem>>
            %dma_wait3A_143 = arith.constant 0 : i32
            %dma_wait3A_144 = arith.constant 0 : i32
            %dma_wait3A_145 = tpu.memref_slice %arg13[%dma_wait3A_143, %dma_wait3A_144] : memref<10240x128xf32, #tpu.memory_space<vmem_shared>> -> memref<10240x128xf32, #tpu.memory_space<vmem_shared>>
            tpu.wait_indirect_dma semaphore(%run_scoped3A : memref<!tpu.dma_semaphore, #tpu.memory_space<semaphore_mem>>) src(%arg11 : memref<128x128xf32, #tpu.memory_space<vmem>>) dst(%dma_wait3A_145 : memref<10240x128xf32, #tpu.memory_space<vmem_shared>>)
            tpu.yield
          }) : () -> ()
          %scan3A_135 = arith.constant 0 : i32
          scf.yield %scan3A_135 : i32
        }
        %scan3A_132 = arith.constant 8 : i32
      } else {
      }
      %scan3A_122 = arith.constant 0 : i32
      scf.yield %scan3A_122 : i32
    }
    %scan3A_107 = arith.constant 16 : i32
    %barrier3A_108 = arith.constant 0 : index
    tpu.barrier barrier_id(%barrier3A_108)
    %scan3A_109 = arith.constant 0 : i32
    %scan3A_110 = arith.constant 0 : i32
    %scan3A_111 = arith.constant 5 : i32
    %scan3A_112 = arith.addi %scan3A_110, %scan3A_111 : i32
    %scan3A_113 = arith.constant 1 : i32
    %scan3A_114 = scf.for %scan3A_116 = %scan3A_110 to %scan3A_112 step %scan3A_113 iter_args(%scan3A_117 = %scan3A_109) -> (i32)  : i32 {
      %mul3A_118 = arith.constant 640 : i32
      %mul3A_119 = arith.muli %arg1, %mul3A_118 : i32
      %mul3A_120 = arith.constant 128 : i32
      %mul3A_121 = arith.muli %scan3A_116, %mul3A_120 : i32
      %add3A_122 = arith.addi %mul3A_119, %mul3A_121 : i32
      "tpu.region"() ({
        %run_scoped3A = tpu.sem_alloc : memref<!tpu.dma_semaphore, #tpu.memory_space<semaphore_mem>>
        %dma_start3A = arith.constant 0 : i32
        %dma_start3A_124 = tpu.memref_slice %arg9[%arg0, %add3A_122, %dma_start3A] : memref<2x10240x128xf32, #tpu.memory_space<hbm>> -> memref<1x128x128xf32, #tpu.memory_space<hbm>>
        %dma_start3A_125 = tpu.memref_squeeze %dma_start3A_124 : memref<1x128x128xf32, #tpu.memory_space<hbm>> -> memref<128x128xf32, #tpu.memory_space<hbm>>
        %dma_start3A_126 = arith.constant 0 : i32
        %dma_start3A_127 = tpu.memref_slice %arg13[%add3A_122, %dma_start3A_126] : memref<10240x128xf32, #tpu.memory_space<vmem_shared>> -> memref<128x128xf32, #tpu.memory_space<vmem_shared>>
        tpu.enqueue_dma source(%dma_start3A_127 : memref<128x128xf32, #tpu.memory_space<vmem_shared>>) target(%dma_start3A_125 : memref<128x128xf32, #tpu.memory_space<hbm>>) target_semaphore(%run_scoped3A : memref<!tpu.dma_semaphore, #tpu.memory_space<semaphore_mem>>)
        %dma_wait3A = arith.constant 0 : i32
        %dma_wait3A_128 = tpu.memref_slice %arg9[%arg0, %add3A_122, %dma_wait3A] : memref<2x10240x128xf32, #tpu.memory_space<hbm>> -> memref<1x128x128xf32, #tpu.memory_space<hbm>>
        %dma_wait3A_129 = tpu.memref_squeeze %dma_wait3A_128 : memref<1x128x128xf32, #tpu.memory_space<hbm>> -> memref<128x128xf32, #tpu.memory_space<hbm>>
        %dma_wait3A_130 = arith.constant 0 : i32
        %dma_wait3A_131 = tpu.memref_slice %arg13[%add3A_122, %dma_wait3A_130] : memref<10240x128xf32, #tpu.memory_space<vmem_shared>> -> memref<128x128xf32, #tpu.memory_space<vmem_shared>>
        tpu.wait_dma2 semaphore(%run_scoped3A : memref<!tpu.dma_semaphore, #tpu.memory_space<semaphore_mem>>) src(%dma_wait3A_131 : memref<128x128xf32, #tpu.memory_space<vmem_shared>>) dst(%dma_wait3A_129 : memref<128x128xf32, #tpu.memory_space<hbm>>)
        tpu.yield
      }) : () -> ()
      %scan3A_123 = arith.constant 0 : i32
      scf.yield %scan3A_123 : i32
    }
    %scan3A_115 = arith.constant 5 : i32
    return
  }
}

module attributes {stable_mosaic.version = 14 : i64} {
  func.func @body(%arg0: i32, %arg1: memref<2x1024x128xf32, #tpu.memory_space<vmem>>, %arg2: memref<2x1024x128xf32, #tpu.memory_space<vmem>>, %arg3: memref<1024x128xf32, #tpu.memory_space<vmem>>, %arg4: memref<128x256xf32, #tpu.memory_space<vmem>>, %arg5: memref<1024x128xf32, #tpu.memory_space<vmem>>) attributes {dimension_semantics = [#tpu.dimension_semantics<arbitrary>], iteration_bounds = array<i64: 10>, scalar_prefetch = 0 : i64, scratch_operands = 0 : i64, tpu.core_type = #tpu.core_type<tc>, window_params = [{transform_indices = @transform_0, window_bounds = array<i64: 2, 1024, 128>}, {transform_indices = @transform_1, window_bounds = array<i64: 2, 1024, 128>}, {transform_indices = @transform_2, window_bounds = array<i64: 1024, 128>}, {pipeline_mode = #tpu.pipeline_mode<synchronous>, transform_indices = @transform_3, window_bounds = array<i64: 128, 256>}, {transform_indices = @transform_4, window_bounds = array<i64: 1024, 128>}]} {
    %get3A = arith.constant 0 : index
    %get3A_0 = arith.constant 0 : index
    %get3A_1 = arith.constant 0 : index
    %get3A_2 = vector.load %arg1[%get3A, %get3A_0, %get3A_1] : memref<2x1024x128xf32, #tpu.memory_space<vmem>>, vector<2x1024x128xf32>
    %get3A_3 = arith.constant 0 : index
    %get3A_4 = arith.constant 0 : index
    %get3A_5 = arith.constant 0 : index
    %get3A_6 = vector.load %arg2[%get3A_3, %get3A_4, %get3A_5] : memref<2x1024x128xf32, #tpu.memory_space<vmem>>, vector<2x1024x128xf32>
    %get3A_7 = arith.constant 0 : index
    %get3A_8 = arith.constant 0 : index
    %get3A_9 = vector.load %arg3[%get3A_7, %get3A_8] : memref<1024x128xf32, #tpu.memory_space<vmem>>, vector<1024x128xf32>
    %get3A_10 = arith.constant 0 : index
    %get3A_11 = arith.constant 0 : index
    %get3A_12 = vector.load %arg4[%get3A_10, %get3A_11] : memref<128x256xf32, #tpu.memory_space<vmem>>, vector<128x256xf32>
    %slice3A = vector.extract_strided_slice %get3A_6 {offsets = [0, 0, 0], sizes = [1, 1024, 1], strides = [1, 1, 1]} : vector<2x1024x128xf32> to vector<1x1024x1xf32>
    %squeeze3A = vector.shape_cast %slice3A : vector<1x1024x1xf32> to vector<1024x1xf32>
    %slice3A_13 = vector.extract_strided_slice %get3A_6 {offsets = [1, 0, 0], sizes = [1, 1024, 1], strides = [1, 1, 1]} : vector<2x1024x128xf32> to vector<1x1024x1xf32>
    %squeeze3A_14 = vector.shape_cast %slice3A_13 : vector<1x1024x1xf32> to vector<1024x1xf32>
    %add3A = arith.addf %squeeze3A, %squeeze3A_14 : vector<1024x1xf32>
    %max3A = arith.constant 1.000000e+00 : f32
    %max3A_15 = vector.broadcast %max3A : f32 to vector<1024x1xf32>
    %max3A_16 = arith.maximumf %add3A, %max3A_15 : vector<1024x1xf32>
    %slice3A_17 = vector.extract_strided_slice %get3A_2 {offsets = [0, 0, 0], sizes = [1, 1024, 128], strides = [1, 1, 1]} : vector<2x1024x128xf32> to vector<1x1024x128xf32>
    %squeeze3A_18 = vector.shape_cast %slice3A_17 : vector<1x1024x128xf32> to vector<1024x128xf32>
    %slice3A_19 = vector.extract_strided_slice %get3A_2 {offsets = [1, 0, 0], sizes = [1, 1024, 128], strides = [1, 1, 1]} : vector<2x1024x128xf32> to vector<1x1024x128xf32>
    %squeeze3A_20 = vector.shape_cast %slice3A_19 : vector<1x1024x128xf32> to vector<1024x128xf32>
    %add3A_21 = arith.addf %squeeze3A_18, %squeeze3A_20 : vector<1024x128xf32>
    %div3A = vector.broadcast %max3A_16 : vector<1024x1xf32> to vector<1024x128xf32>
    %div3A_22 = arith.divf %add3A_21, %div3A : vector<1024x128xf32>
    %slice3A_23 = vector.extract_strided_slice %get3A_12 {offsets = [0, 0], sizes = [128, 128], strides = [1, 1]} : vector<128x256xf32> to vector<128x128xf32>
    %dot_general3A = arith.constant dense<0.000000e+00> : vector<1024x128xf32>
    %dot_general3A_24 = tpu.matmul %get3A_9, %slice3A_23, %dot_general3A {dimension_numbers = #tpu.dot_dimension_numbers<[1], [1], [0], [0], [0, 0, 1, 0], [], []>, transpose_lhs_hint = false} : vector<1024x128xf32>, vector<128x128xf32>, vector<1024x128xf32> -> vector<1024x128xf32>
    %slice3A_25 = vector.extract_strided_slice %get3A_12 {offsets = [0, 128], sizes = [128, 128], strides = [1, 1]} : vector<128x256xf32> to vector<128x128xf32>
    %dot_general3A_26 = arith.constant dense<0.000000e+00> : vector<1024x128xf32>
    %dot_general3A_27 = tpu.matmul %div3A_22, %slice3A_25, %dot_general3A_26 {dimension_numbers = #tpu.dot_dimension_numbers<[1], [1], [0], [0], [0, 0, 1, 0], [], []>, transpose_lhs_hint = false} : vector<1024x128xf32>, vector<128x128xf32>, vector<1024x128xf32> -> vector<1024x128xf32>
    %add3A_28 = arith.addf %dot_general3A_24, %dot_general3A_27 : vector<1024x128xf32>
    %max3A_29 = arith.constant 0.000000e+00 : f32
    %max3A_30 = vector.broadcast %max3A_29 : f32 to vector<1024x128xf32>
    %max3A_31 = arith.maximumf %add3A_28, %max3A_30 : vector<1024x128xf32>
    %swap3A = arith.constant 0 : index
    %swap3A_32 = arith.constant 0 : index
    %swap3A_33 = vector.load %arg5[%swap3A, %swap3A_32] : memref<1024x128xf32, #tpu.memory_space<vmem>>, vector<1024x128xf32>
    tpu.vector_store %arg5[%swap3A, %swap3A_32], %max3A_31 {strides = array<i32>} : memref<1024x128xf32, #tpu.memory_space<vmem>>, vector<1024x128xf32>,
    return
  }
  func.func @transform_0(%arg0: i32) -> (i32, i32, i32) {
    %c0_i32 = arith.constant 0 : i32
    %c0_i32_0 = arith.constant 0 : i32
    %c0_i32_1 = arith.constant 0 : i32
    return %c0_i32, %arg0, %c0_i32_0 : i32, i32, i32
  }
  func.func @transform_1(%arg0: i32) -> (i32, i32, i32) {
    %c0_i32 = arith.constant 0 : i32
    %c0_i32_0 = arith.constant 0 : i32
    %c0_i32_1 = arith.constant 0 : i32
    return %c0_i32, %arg0, %c0_i32_0 : i32, i32, i32
  }
  func.func @transform_2(%arg0: i32) -> (i32, i32) {
    %c0_i32 = arith.constant 0 : i32
    %c0_i32_0 = arith.constant 0 : i32
    return %arg0, %c0_i32 : i32, i32
  }
  func.func @transform_3(%arg0: i32) -> (i32, i32) {
    %c0_i32 = arith.constant 0 : i32
    %c0_i32_0 = arith.constant 0 : i32
    %c0_i32_1 = arith.constant 0 : i32
    return %c0_i32, %c0_i32_0 : i32, i32
  }
  func.func @transform_4(%arg0: i32) -> (i32, i32) {
    %c0_i32 = arith.constant 0 : i32
    %c0_i32_0 = arith.constant 0 : i32
    return %arg0, %c0_i32 : i32, i32
  }
}

</mosaic_0001>

<sc_bundles>
// kernel: kernel.4.cloned.1.call-start
scs
__scs_entry_jumppad:
0x0: {  	(pc) =	sbr.rel $0x88, $3  }
0x1: {  	(tag) =	ssettag $0x0;
	lr =	simm.s32 $0x1  }
0x2: {  	[smem:$0x3F9A] =	sst lr;
	_ =	strace $0xD0000000  }
0x3: {  	_ = 	snop  }
0x4: {  	_ = 	snop  }
0x5: {  	_ = 	snop  }
0x6: {  	_ = 	snop  }
0x7: {  	_ = 	snop  }
__scs_overlays_trampoline_lowered:
0x8: {  	[smem:$0x3FA9] =	sst s0  }
0x9: {  	[smem:$0x3FAA] =	sst s1  }
0xa: {  	[smem:$0x3FAB] =	sst s2  }
0xb: {  	[smem:$0x3FAC] =	sst s3  }
0xc: {  	[smem:$0x3FAD] =	sst s4  }
0xd: {  	[smem:$0x3FAE] =	sst s5  }
0xe: {  	[smem:$0x3FAF] =	sst s6  }
0xf: {  	[smem:$0x3FB0] =	sst s7  }
0x10: {  	[smem:$0x3FB1] =	sst s8  }
0x11: {  	[smem:$0x3FB2] =	sst s9;
	s0 =	simm.s32 @!p0 $0x0  }
0x12: {  	s1 =	sld [smem:$0x3F98];
	s0 =	simm.s32 @p0 $0x1  }
0x13: {  	[smem:$0x3FB3] =	sst s0;
	s0 =	simm.s32 @!p1 $0x0  }
0x14: {  	s2 =	sld [smem:$0x3F97];
	s0 =	simm.s32 @p1 $0x1  }
0x15: {  	[smem:$0x3FB4] =	sst s0;
	s0 =	simm.s32 @!p2 $0x0  }
0x16: {  	s3 =	sld [smem:$0x3FDB];
	s0 =	simm.s32 @p2 $0x1  }
0x17: {  	s4 =	simm.s32 $0x1BF5;
	[smem:$0x3FB6] =	sst s0  }
0x18: {  	s0 =	sld [smem:$0x3F99];
	_ =	swait.ge [sflag:s4], $0x0  }
0x19: {  	s7 =	sld [smem:$0x3F9A]  }
0x1a: {  	s8 =	sadd.s32 $0xFFFFE003, lr  }
0x1b: {  	s9 =	sadd.s32 $0xFFFFFEF7, lr;
	s5 =	simm.s32 $0xFFFFFFFF;
	p2 =	slt.u32 s8, $0xFFFFF086  }
0x1c: {  	p1 =	slt.u32 s9, $0xF7A;
	s5 =	simm.s32 @!p2 $0x0  }
0x1d: {  	s5 =	simm.s32 @p1 $0x1;
	p0 =	seq.s32 s7, s2  }
0x1e: {  	s7 =	smul.u32 @!p0 $0xF7A, s2;
	p2 =	seq.s32 @!p0 s5, $0x0  }
0x1f: {  	s9 =	smul.u32 $0xF7A, s1;
	s8 =	simm.s32 @!p0 $0x1BF5;
	p2 =	por !p2, p0  }
0x20: {  	[sflag:s8] =	ssyncset.s32 @!p0 $0xFFFFF086;
	s6 =	sadd.s32 @!p0 s3, s7;
	s7 =	simm.s32 @!p0 $0x108  }
0x21: {  	s3 =	sadd.s32 s3, s9;
	s6 =	sadd.s32 @!p0 $0x88, s6;
	s7 =	simm.s32 @p2 $0x1082  }
0x22: {  	[simem:s7], [sflag:s8] =	dma.local @!p0 [hbm:s6], $0xF7A  }
0x23: {  	s9 =	sor.u32 $0xD0000000, s2;
	s6 =	simm.s32 $0x108;
	_ =	swait.ge @!p0 [sflag:s8], $0x0  }
0x24: {  	s3 =	sadd.s32 $0x88, s3;
	s6 =	simm.s32 @!p1 $0x1082;
	[sflag:s4] =	ssyncset.s32 $0xFFFFF086  }
0x25: {  	[simem:s6], [sflag:s4] =	dma.local [hbm:s3], $0xF7A  }
0x26: {  	[smem:$0x3F9A] =	sst s1;
	(tag) =	ssettag s2;
	_ =	strace s9  }
0x27: {  	s1 =	sld [smem:$0x3FAA]  }
0x28: {  	s2 =	sld [smem:$0x3FAB]  }
0x29: {  	s4 =	sld [smem:$0x3FAD]  }
0x2a: {  	p0 =	seq.s32 s5, $0x0;
	s5 =	sld [smem:$0x3FAE]  }
0x2b: {  	s6 =	sld [smem:$0x3FAF]  }
0x2c: {  	s7 =	sld [smem:$0x3FB0]  }
0x2d: {  	s3 =	simm.s32 $0x108;
	s8 =	sld [smem:$0x3FB1]  }
0x2e: {  	s3 =	simm.s32 @!p0 $0x1082;
	s9 =	sld [smem:$0x3FB2]  }
0x2f: {  	lr =	sadd.s32 s0, s3;
	s0 =	sld [smem:$0x3FA9]  }
0x30: {  	s3 =	sld [smem:$0x3FAC]  }
0x31: {  	[smem:$0x3FB5] =	sst s10  }
0x32: {  	s10 =	sld [smem:$0x3FB3];
	_ =	sdelay $0x3  }
0x33: {  	p0 =	seq.s32 s10, $0x1;
	s10 =	sld [smem:$0x3FB5];
	_ =	sdelay $0x3  }
0x34: {  	[smem:$0x3FB5] =	sst s10  }
0x35: {  	s10 =	sld [smem:$0x3FB4];
	_ =	sdelay $0x3  }
0x36: {  	p1 =	seq.s32 s10, $0x1;
	s10 =	sld [smem:$0x3FB5];
	_ =	sdelay $0x3  }
0x37: {  	[smem:$0x3FB5] =	sst s10  }
0x38: {  	s10 =	sld [smem:$0x3FB6]  }
0x39: {  	_ = 	snop;
	(pc) =	sbr.ind lr, $3  }
0x3a: {  	_ = 	snop  }
0x3b: {  	_ = 	snop  }
0x3c: {  	p2 =	seq.s32 s10, $0x1;
	s10 =	sld [smem:$0x3FB5]  }
0x3d: {  	_ =	shalt  }
0x3e: {  	_ =	shalt  }
0x3f: {  	_ =	shalt  }
0x40: {  	_ =	shalt  }
0x41: {  	_ =	shalt  }
0x42: {  	_ =	shalt  }
0x43: {  	_ =	shalt  }
0x44: {  	_ =	shalt  }
0x45: {  	_ =	shalt  }
0x46: {  	_ =	shalt  }
0x47: {  	_ =	shalt  }
0x48: {  	_ =	shalt  }
0x49: {  	_ =	shalt  }
0x4a: {  	_ =	shalt  }
0x4b: {  	_ =	shalt  }
0x4c: {  	_ =	shalt  }
0x4d: {  	_ =	shalt  }
0x4e: {  	_ =	shalt  }
0x4f: {  	_ =	shalt  }
0x50: {  	_ =	shalt  }
0x51: {  	_ =	shalt  }
0x52: {  	_ =	shalt  }
0x53: {  	_ =	shalt  }
0x54: {  	_ =	shalt  }
0x55: {  	_ =	shalt  }
0x56: {  	_ =	shalt  }
0x57: {  	_ =	shalt  }
0x58: {  	_ =	shalt  }
0x59: {  	_ =	shalt  }
0x5a: {  	_ =	shalt  }
0x5b: {  	_ =	shalt  }
0x5c: {  	_ =	shalt  }
0x5d: {  	_ =	shalt  }
0x5e: {  	_ =	shalt  }
0x5f: {  	_ =	shalt  }
0x60: {  	_ =	shalt  }
0x61: {  	_ =	shalt  }
0x62: {  	_ =	shalt  }
0x63: {  	_ =	shalt  }
0x64: {  	_ =	shalt  }
0x65: {  	_ =	shalt  }
0x66: {  	_ =	shalt  }
0x67: {  	_ =	shalt  }
0x68: {  	_ =	shalt  }
0x69: {  	_ =	shalt  }
0x6a: {  	_ =	shalt  }
0x6b: {  	_ =	shalt  }
0x6c: {  	_ =	shalt  }
0x6d: {  	_ =	shalt  }
0x6e: {  	_ =	shalt  }
0x6f: {  	_ =	shalt  }
0x70: {  	_ =	shalt  }
0x71: {  	_ =	shalt  }
0x72: {  	_ =	shalt  }
0x73: {  	_ =	shalt  }
0x74: {  	_ =	shalt  }
0x75: {  	_ =	shalt  }
0x76: {  	_ =	shalt  }
0x77: {  	_ =	shalt  }
0x78: {  	_ =	shalt  }
0x79: {  	_ =	shalt  }
0x7a: {  	_ =	shalt  }
0x7b: {  	_ =	shalt  }
0x7c: {  	_ =	shalt  }
0x7d: {  	_ =	shalt  }
0x7e: {  	_ =	shalt  }
0x7f: {  	_ =	shalt  }
0x80: {  	_ =	shalt  }
0x81: {  	_ =	shalt  }
0x82: {  	_ =	shalt  }
0x83: {  	_ =	shalt  }
0x84: {  	_ =	shalt  }
0x85: {  	_ =	shalt  }
0x86: {  	_ =	shalt  }
0x87: {  	_ =	shalt  }
.Lfunc_end0:
.L_simem_size_0:
called_computation_lowered:
.L_overlay_start_0:
0x88: {  	s2 =	sld [smem:$0x3FD9]  }
0x89: {  	s3 =	sld [smem:$0x3FFE];
	_ =	sdelay $0x1  }
0x8a: {  	s1 =	srdreg.scid  }
0x8b: {  	s0 =	sand.u32 $0x1, s1  }
0x8c: {  	s17 =	sshll.u32 s0, $0xA;
	s2 =	sadd.s32 s3, s2  }
0x8d: {  	s2 =	sadd.s32 s2, s17  }
0x8e: {  	[smem:$0x3FC1] =	sst s2  }
0x8f: {  	_ = 	snop  }
0x90: {  	s2 =	sld [smem:$0x3FC9]  }
0x91: {  	s18 =	sld [smem:$0x3FD0];
	(tm) =	ssettm $0x1  }
0x92: {  	s4 =	sld [smem:$0x3FFB];
	_ =	sdelay $0x3  }
0x93: {  	_ =	strace s4  }
0x94: {  	s4 =	sld [smem:$0x3FFC];
	_ =	sdelay $0x3  }
0x95: {  	_ =	strace s4  }
0x96: {  	s4 =	sld [smem:$0x3FFD];
	_ =	sdelay $0x3  }
0x97: {  	_ =	strace s4  }
0x98: {  	_ =	strace $0x8FFFFFFF  }
0x99: {  	s19 =	sld [smem:$0x3FDB];
	_ =	sdelay $0x1  }
0x9a: {  	s5 =	simm.s32 $_scs_section_size  }
0x9b: {  	s6 =	simm.s32 $_size__tile_overlayer_lowered;
	s7 =	simm.s32 $_tile_overlayer_lowered  }
0x9c: {  	s22 =	simm.s32 $0x1BFF;
	s21 =	sshll.u32 s7, $0x1;
	s4 =	sadd.s32 s5, s19  }
0x9d: {  	s8 =	simm.s32 $0x0;
	s20 =	sshll.u32 s6, $0x1;
	s6 =	sadd.s32 s21, s4  }
0x9e: {  	[timem:s8], [sflag:s22] =	dma.local [hbm:s6], s20  }
0x9f: {  	_ =	swait.ge [sflag:s22], s20  }
0xa0: {  	s5 =	ssub.s32 $0x0, s20;
	[sflag:s22] =	ssyncset.done $0x0  }
0xa1: {  	[sflag:s22] =	ssyncadd.s32 s5;
	_ =	sdelay $0x1  }
0xa2: {  	s23 =	simm.s32 $0x1B8B  }
0xa3: {  	_ =	swait.ge [sflag:s23], $0x1  }
0xa4: {  	[sflag:s23] =	ssyncset.done $0x0  }
0xa5: {  	s25 =	simm.s32 $0x1B8E;
	s24 =	sld [smem:$0x3FFE];
	[sflag:s23] =	ssyncadd.s32 $0xFFFFFFFF  }
0xa6: {  	s26 =	simm.s32 $execute0_lowered;
	[smem:$0x3FD2] =	sst s25  }
0xa7: {  	s6 =	sshll.u32 s26, $0x1;
	_ =	strace $0x80000046;
	[dreg:$0x1] =	wrdreg $0xFFFFFFFF  }
0xa8: {  	s28 =	simm.s32 $_size_execute0_lowered;
	s4 =	sadd.s32 s4, s6;
	[dreg:$0x0] =	wrdreg $0x0  }
0xa9: {  	s6 =	sshll.u32 s28, $0x1;
	[dreg:$0x2] =	wrdreg s4  }
0xaa: {  	[dreg:$0x3] =	wrdreg s6  }
0xab: {  	[dreg:$0x4] =	wrdreg $0xC0  }
0xac: {  	_ =	task [dreg:s8], $0x5FFFF  }
0xad: {  	[dreg:$0x1] =	wrdreg $0xFFFFFFFF  }
0xae: {  	[dreg:$0x0] =	wrdreg $0x60  }
0xaf: {  	[dreg:$0x2] =	wrdreg s24  }
0xb0: {  	[dreg:$0x3] =	wrdreg s18  }
0xb1: {  	[dreg:$0x4] =	wrdreg s2  }
0xb2: {  	[dreg:$0x5] =	wrdreg $0x80000  }
0xb3: {  	[dreg:$0x6] =	wrdreg $0x9  }
0xb4: {  	_ =	task.clear_ibuf [dreg:s8], $0x7FFFF;
	_ =	strace $0x90000046  }
0xb5: {  	s29 =	simm.s32 $0x9;
	_ =	strace $0x80000048  }
0xb6: {  	_ =	swait.ge [sflag:s29], $0x1  }
0xb7: {  	[sflag:s29] =	ssyncadd.s32 $0xFFFFFFFF  }
0xb8: {  	_ =	strace $0x90000048  }
0xb9: {  	_ =	sfence  }
0xba: {  	s30 =	sld [smem:$0x0];
	_ =	sdelay $0x2  }
0xbb: {  	s31 =	sshll.u32 s1, $0xD;
	s1 =	sshrl.u32 s1, $0x2  }
0xbc: {  	s3 =	sand.u32 $0x4000, s31;
	s1 =	sadd.s32 s1, s30  }
0xbd: {  	s0 =	sor.u32 s3, s0;
	s1 =	sshll.u32 s1, $0x11  }
0xbe: {  	s0 =	sor.u32 s1, s0  }
0xbf: {  	s0 =	sadd.s32 $0x8F2B, s0  }
0xc0: {  	[sflag:s0] =	ssyncadd.remote.s32 $0x1  }
0xc1: {  	_ =	sfence.sel $0xFFFF  }
0xc2: {  	[dreg:$0x0] =	wrdreg $0xFFFFFFFF;
	(pc) =	sbr.abs _section_cstart, $3  }
0xc3: {  	[dreg:$0x1] =	wrdreg $0xFFFFFFFF  }
0xc4: {  	_ =	task.clear_ibuf [dreg:s8], $0x2FFFF;
	_ =	strace $0x9FFFFFFF  }
0xc5: {  	(tm) =	ssettm $0x7FFFFFFF  }
tec
execute0_lowered:
.L_overlay_start_1:
0x0: {  	(tag) =	ssettag $0x1  }
0x1: {  	s1 =	rddreg [dreg:$0x0];
	s0 =	simm.s32 $0x0  }
0x2: {  	s2 =	srdreg.scid;
	s15 =	stileid.u32;
	s29 =	simm.s32 $0x1C400  }
0x3: {  	s28 =	simm.s32 $0x1CB80;
	[smem:$0x7FF] =	sst s0;
	s3 =	sadd.s32 $0xBA00, s1  }
0x4: {  	s4 =	sadd.s32 $0x16000, s1;
	s5 =	sadd.s32 $0x8E000, s1;
	s6 =	sand.u32 $0x1, s2  }
0x5: {  	s7 =	sadd.s32 $0x66000, s1;
	s19 =	sshll.u32 s15, $0x2;
	s11 =	sshll.u32 s15, $0x4  }
0x6: {  	s24 =	smul.u32 $0x14000, s15;
	s8 =	ssub.s32 $0x2, s6;
	s10 =	sshll.u32 s6, $0x4  }
0x7: {  	p1 =	seq.s32 s6, $0x0;
	s2 =	sor.u32 $0x100, s19;
	s13 =	smul.u32 $0x140000, s6  }
0x8: {  	p0 =	sne.s32 s6, $0x0;
	s6 =	simm.s32 $0x1C380;
	s9 =	sshrl.u32 s8, $0x1  }
0x9: {  	s20 =	sor.u32 s15, s10;
	s2 =	smov.u32 @p1 s11;
	s19 =	sadd.s32 $0x8000, s24  }
0xa: {  	s8 =	ssub.s32 s8, s9;
	s10 =	sshll.u32 s20, $0x4;
	s21 =	sshll.u32 s20, $0xB  }
0xb: {  	s12 =	sor.u32 $0x20, s20;
	s9 =	sor.u32 $0x40, s20;
	s20 =	rddreg [dreg:$0x1]  }
0xc: {  	s10 =	sadd.s32 s3, s10;
	s22 =	sadd.s32 s7, s21;
	s23 =	sshll.u32 s12, $0x4  }
0xd: {  	s25 =	sshll.u32 s12, $0xB;
	s26 =	sshll.u32 s9, $0x4;
	[dreg:$0x5] =	wrdreg s10  }
0xe: {  	s9 =	sshll.u32 s9, $0xB;
	[dreg:$0x6] =	wrdreg s22;
	s10 =	sadd.s32 s3, s23  }
0xf: {  	s12 =	sadd.s32 s13, s24;
	s11 =	sadd.s32 s7, s25;
	[dreg:$0x7] =	wrdreg s10  }
0x10: {  	s21 =	sadd.s32 $0xC000, s24;
	s3 =	sadd.s32 s3, s26;
	[dreg:$0x8] =	wrdreg s11  }
0x11: {  	s7 =	sadd.s32 s7, s9;
	s16 =	sshrl.u32 s12, $0x3;
	[dreg:$0x9] =	wrdreg s3  }
0x12: {  	s22 =	sadd.s32 s13, s19;
	s9 =	smul.u32 $0x50000, s15;
	[dreg:$0xa] =	wrdreg s7  }
0x13: {  	s11 =	sadd.s32 s5, s16;
	s12 =	sshrl.u32 s22, $0x3;
	s22 =	rddreg [dreg:$0x3]  }
0x14: {  	s3 =	sadd.s32 $0x4000, s24;
	s7 =	sadd.s32 s4, s16;
	[dreg:$0xb] =	wrdreg s11  }
0x15: {  	s10 =	sadd.s32 $0x10000, s24;
	s14 =	sadd.s32 s13, s3;
	[dreg:$0xc] =	wrdreg s7  }
0x16: {  	s16 =	sadd.s32 s4, s12;
	s25 =	sadd.s32 s5, s12;
	s12 =	smax.u32 s8, $0x1  }
0x17: {  	s15 =	sadd.s32 s21, s22;
	s8 =	simm.s32 $0x3;
	s7 =	simm.s32 $0x1CB00  }
0x18: {  	s17 =	sshrl.u32 s14, $0x3;
	s14 =	sadd.s32 s13, s21;
	[dreg:$0xe] =	wrdreg s16  }
0x19: {  	s13 =	sadd.s32 s13, s10;
	[dreg:$0x12] =	wrdreg s25;
	s25 =	sadd.s32 $0x1A00, s1  }
0x1a: {  	s16 =	sadd.s32 s10, s22;
	s10 =	simm.s32 $0x4;
	s18 =	sadd.s32 s4, s17  }
0x1b: {  	s14 =	sshrl.u32 s14, $0x3;
	s24 =	sadd.s32 s5, s17;
	[dreg:$0xd] =	wrdreg s18  }
0x1c: {  	s13 =	sshrl.u32 s13, $0x3;
	s23 =	sadd.s32 s4, s14;
	[dreg:$0x11] =	wrdreg s24  }
0x1d: {  	s17 =	sshll.u32 s2, $0x7;
	s4 =	sadd.s32 s4, s13;
	[dreg:$0xf] =	wrdreg s23  }
0x1e: {  	s26 =	sadd.s32 s5, s14;
	s5 =	sadd.s32 s5, s13;
	[dreg:$0x10] =	wrdreg s4  }
0x1f: {  	s24 =	sadd.s32 $0x1B7200, s1;
	s13 =	sadd.s32 s3, s22;
	[dreg:$0x13] =	wrdreg s26  }
0x20: {  	s14 =	sadd.s32 s19, s22;
	s3 =	simm.s32 $0x1CA00;
	[dreg:$0x14] =	wrdreg s5  }
0x21: {  	s23 =	simm.s32 $0x10;
	_ =	strace $0x80000047;
	[dreg:$0x16] =	wrdreg s12  }
0x22: {  	s4 =	sshrl.u32 s9, $0x2;
	s26 =	sadd.s32 $0xC000, s1;
	[dreg:$0x17] =	wrdreg s13  }
0x23: {  	s9 =	simm.s32 $0x1C000;
	s5 =	simm.s32 $0x1CA80;
	[dreg:$0x18] =	wrdreg s14  }
0x24: {  	s23 =	simm.s32 @!p1 $0x4;
	s30 =	sadd.s32 s4, s22;
	[dreg:$0x19] =	wrdreg s15  }
0x25: {  	[dreg:$0x1a] =	wrdreg s16;
	s1 =	sadd.s32 s17, s26;
	s12 =	simm.s32 $0x1C800  }
0x26: {  	s13 =	simm.s32 $0x80;
	s14 =	simm.s32 $0x1;
	[dreg:$0x1b] =	wrdreg s1  }
0x27: {  	s16 =	simm.s32 $0x4000;
	s18 =	sadd.s32 $0x8000, s30;
	[dreg:$0x15] =	wrdreg s30  }
0x28: {  	s4 =	simm.s32 $0x1C300;
	s19 =	sadd.s32 $0xC000, s30;
	[dreg:$0x1d] =	wrdreg s18  }
0x29: {  	s15 =	simm.s32 $0x0;
	s21 =	sadd.s32 $0x10000, s30;
	[dreg:$0x1e] =	wrdreg s19  }
0x2a: {  	s31 =	sadd.s32 $0x4000, s30;
	s1 =	simm.s32 $0x1C980;
	[dreg:$0x1f] =	wrdreg s21  }
0x2b: {  	v0 =	vimm.f32 $0.0e+00;
	v1 =	vimm.f32 $1.000000000e+00;
	s18 =	simm.s32 $0x2;
	s21 =	simm.s32 $0x1C280;
	[dreg:$0x1c] =	wrdreg s31  }
.LBB2_1:
0x2c: {  	s11 =	sand.u32 $0xFE00, s0  }
0x2d: {  	[smem:$0x7FD] =	sst s15;
	s19 =	sand.u32 $0x70, s0;
	s17 =	sshrl.u32 s11, $0x2  }
0x2e: {  	s15 =	simm.s32 $0x0;
	s11 =	simm.s32 $0x40;
	s17 =	sor.u32 s19, s17  }
.LBB2_2:
0x2f: {  	p1 =	sne.s32 s11, $0xFFC0  }
0x30: {  	[tilespmem:s17+$0x0] =	vst v0;
	s15 =	sadd.s32 $0x10, s15;
	s17 =	smov.u32 s11;
	s11 =	sadd.s32 $0x40, s11  }
.Ltmp0:
0x31: {  	(pc) =	sbr.rel @p1 .LBB2_2-.Ltmp0, $4  }
0x32: {  	_ = 	snop  }
0x33: {  	s17 =	sand.u32 $0xFE00, s17  }
0x34: {  	s19 =	sand.u32 $0x70, s15;
	s17 =	sshrl.u32 s17, $0x2  }
0x35: {  	s17 =	sor.u32 s19, s17  }
0x36: {  	[tilespmem:s17+$0x0] =	vst v0;
	s11 =	simm.s32 $0x0  }
0x37: {  	[spmem:s30] =	stream.linear.scatter [tilespmem:s11], [sflag:$0x3], $0x4000, $0x38;
	[tilespmem:$0x1CC80] =	vst v63  }
0x38: {  	_ =	swait.ge [sflag:s8], $0x4000  }
0x39: {  	[sflag:s8] =	ssyncset.done $0x0  }
0x3a: {  	[sflag:s8] =	ssyncadd.s32 $0xFFFFC000  }
0x3b: {  	[spmem:s31] =	stream.linear.scatter [tilespmem:s11], [sflag:$0x3], $0x4000, $0x38;
	[tilespmem:$0x1CC80] =	vst v63  }
0x3c: {  	_ =	swait.ge [sflag:s8], $0x4000  }
0x3d: {  	[sflag:s8] =	ssyncset.done $0x0  }
0x3e: {  	s15 =	rddreg [dreg:$0x1d];
	[sflag:s8] =	ssyncadd.s32 $0xFFFFC000  }
0x3f: {  	[spmem:s15] =	stream.linear.scatter [tilespmem:s11], [sflag:$0x3], $0x4000, $0x38;
	[tilespmem:$0x1CC80] =	vst v63  }
0x40: {  	_ =	swait.ge [sflag:s8], $0x4000  }
0x41: {  	[sflag:s8] =	ssyncset.done $0x0  }
0x42: {  	s17 =	rddreg [dreg:$0x1e];
	[sflag:s8] =	ssyncadd.s32 $0xFFFFC000  }
0x43: {  	[spmem:s17] =	stream.linear.scatter [tilespmem:s11], [sflag:$0x3], $0x4000, $0x38;
	[tilespmem:$0x1CC80] =	vst v63  }
0x44: {  	_ =	swait.ge [sflag:s8], $0x4000  }
0x45: {  	[sflag:s8] =	ssyncset.done $0x0  }
0x46: {  	s19 =	rddreg [dreg:$0x1f];
	[sflag:s8] =	ssyncadd.s32 $0xFFFFC000  }
0x47: {  	[spmem:s19] =	stream.linear.scatter [tilespmem:s11], [sflag:$0x3], $0x4000, $0x38;
	[tilespmem:$0x1CC80] =	vst v63  }
.Ltmp1:
0x48: {  	_ =	swait.ge [sflag:s8], $0x4000;
	(pc) =	sbr.rel .LBB2_4-.Ltmp1, $3  }
0x49: {  	[sflag:s8] =	ssyncset.done $0x0  }
0x4a: {  	[sflag:s8] =	ssyncadd.s32 $0xFFFFC000  }
0x4b: {  	[bflag:$0x0] =	sbarrier.arrive $0xFFFF;
	_ =	sdelay $0x1  }
.LBB2_8:
0x4c: {  	s11 =	sadd.s32 $0x1, s11  }
0x4d: {  	p1 =	sne.s32 s11, $0x10  }
.Ltmp2:
0x4e: {  	_ = 	snop;
	(pc) =	sbr.rel @!p1 .LBB2_9-.Ltmp2, $1  }
0x4f: {  	_ =	sdelay $0x3  }
.LBB2_4:
0x50: {  	p1 =	sge.u32 s11, s23  }
.Ltmp3:
0x51: {  	_ = 	snop;
	(pc) =	sbr.rel @p1 .LBB2_8-.Ltmp3, $1  }
0x52: {  	_ =	sdelay $0x3  }
0x53: {  	s15 =	sadd.s32 s2, s11  }
0x54: {  	s15 =	sshll.u32 s15, $0x7  }
0x55: {  	s19 =	simm.s32 $0x0;
	s17 =	sadd.s32 s25, s15  }
0x56: {  	[tilespmem:s9], [sflag:$0x4] =	stream.linear.gather [hbm4b:s17+s19], $0x400, $0x38;
	[tilespmem:$0x1CC80] =	vst v63  }
0x57: {  	_ =	swait.ge [sflag:s10], $0x400  }
0x58: {  	[sflag:s10] =	ssyncset.done $0x0  }
0x59: {  	s17 =	sadd.s32 s20, s15;
	[sflag:s10] =	ssyncadd.s32 $0xFFFFFC00  }
0x5a: {  	[tilespmem:s29], [sflag:$0x4] =	stream.linear.gather [hbm4b:s17+s19], $0x400, $0x38;
	[tilespmem:$0x1CC80] =	vst v63  }
0x5b: {  	_ =	swait.ge [sflag:s10], $0x400  }
0x5c: {  	[sflag:s10] =	ssyncset.done $0x0  }
0x5d: {  	s15 =	sadd.s32 s26, s15;
	[sflag:s10] =	ssyncadd.s32 $0xFFFFFC00  }
0x5e: {  	[tilespmem:s12], [sflag:$0x4] =	stream.linear.gather [hbm4b:s15+s19], $0x400, $0x38;
	[tilespmem:$0x1CC80] =	vst v63  }
0x5f: {  	_ =	swait.ge [sflag:s10], $0x400  }
0x60: {  	[sflag:s10] =	ssyncset.done $0x0  }
0x61: {  	s17 =	simm.s32 $0x40;
	s15 =	simm.s32 $0x0;
	[sflag:s10] =	ssyncadd.s32 $0xFFFFFC00  }
.LBB2_6:
0x62: {  	p1 =	sne.s32 s17, $0xFC0;
	v2 =	vld [tilespmem:s15+$0x1C000];
	_ =	sdelay $0x1  }
0x63: {  	v3 =	vld [tilespmem:s15+$0x1C400];
	_ =	sdelay $0x1  }
.Ltmp4:
0x64: {  	(pc) =	sbr.rel @p1 .LBB2_6-.Ltmp4, $3  }
0x65: {  	v2 =	vmul.u32 $0x32, v2;
	_ =	sdelay $0x1  }
0x66: {  	v2 =	vadd.s32 v3, v2  }
0x67: {  	[tilespmem:s15+$0x1C000] =	vst v2;
	s15 =	sshra.s32 s17, $0x2;
	s17 =	sadd.s32 $0x40, s17  }
0x68: {  	v2 =	vld [tilespmem:s15+$0x1C000];
	_ =	sdelay $0x1  }
0x69: {  	v3 =	vld [tilespmem:s15+$0x1C400];
	_ =	sdelay $0x2  }
0x6a: {  	v2 =	vmul.u32 $0x32, v2;
	_ =	sdelay $0x1  }
0x6b: {  	v2 =	vadd.s32 v3, v2  }
0x6c: {  	[tilespmem:s15+$0x1C000] =	vst v2  }
0x6d: {  	[tilespmem:s0], [sflag:$0x1] =	stream.indirect.gather [hbm4b:s24+s13], $0x80, s9, s13, $0xb8;
	[tilespmem:$0x1CC80] =	vst v63  }
0x6e: {  	_ =	swait.ge [sflag:s14], $0x4000  }
0x6f: {  	[sflag:s14] =	ssyncset.done $0x0  }
0x70: {  	s17 =	simm.s32 $0x1C080;
	[sflag:s14] =	ssyncadd.s32 $0xFFFFC000  }
0x71: {  	[tilespmem:s16], [sflag:$0x2] =	stream.indirect.gather [hbm4b:s24+s13], $0x80, s17, s13, $0xb8;
	[tilespmem:$0x1CC80] =	vst v63  }
0x72: {  	_ = 	snop  }
0x73: {  	[spmem:s22] =	stream.indirect.scatter.add.f32 [tilespmem:s0], [sflag:$0x4], $0x80, s12, s13, $0xb8;
	[tilespmem:$0x1CC80] =	vst v63  }
0x74: {  	_ =	swait.ge [sflag:s10], $0x4000  }
0x75: {  	[sflag:s10] =	ssyncset.done $0x0  }
0x76: {  	[sflag:s10] =	ssyncadd.s32 $0xFFFFC000  }
0x77: {  	_ =	swait.ge [sflag:s18], $0x4000  }
0x78: {  	[sflag:s18] =	ssyncset.done $0x0  }
0x79: {  	s19 =	simm.s32 $0x1C100;
	[sflag:s18] =	ssyncadd.s32 $0xFFFFC000  }
0x7a: {  	[tilespmem:s0], [sflag:$0x1] =	stream.indirect.gather [hbm4b:s24+s13], $0x80, s19, s13, $0xb8;
	[tilespmem:$0x1CC80] =	vst v63  }
0x7b: {  	s17 =	simm.s32 $0x1C880  }
0x7c: {  	[spmem:s22] =	stream.indirect.scatter.add.f32 [tilespmem:s16], [sflag:$0x4], $0x80, s17, s13, $0xb8;
	[tilespmem:$0x1CC80] =	vst v63  }
0x7d: {  	_ =	swait.ge [sflag:s10], $0x4000  }
0x7e: {  	[sflag:s10] =	ssyncset.done $0x0  }
0x7f: {  	[sflag:s10] =	ssyncadd.s32 $0xFFFFC000  }
0x80: {  	_ =	swait.ge [sflag:s14], $0x4000  }
0x81: {  	[sflag:s14] =	ssyncset.done $0x0  }
0x82: {  	s19 =	simm.s32 $0x1C180;
	[sflag:s14] =	ssyncadd.s32 $0xFFFFC000  }
0x83: {  	[tilespmem:s16], [sflag:$0x2] =	stream.indirect.gather [hbm4b:s24+s13], $0x80, s19, s13, $0xb8;
	[tilespmem:$0x1CC80] =	vst v63  }
0x84: {  	s17 =	simm.s32 $0x1C900  }
0x85: {  	[spmem:s22] =	stream.indirect.scatter.add.f32 [tilespmem:s0], [sflag:$0x4], $0x80, s17, s13, $0xb8;
	[tilespmem:$0x1CC80] =	vst v63  }
0x86: {  	_ =	swait.ge [sflag:s10], $0x4000  }
0x87: {  	[sflag:s10] =	ssyncset.done $0x0  }
0x88: {  	[sflag:s10] =	ssyncadd.s32 $0xFFFFC000  }
0x89: {  	_ =	swait.ge [sflag:s18], $0x4000  }
0x8a: {  	[sflag:s18] =	ssyncset.done $0x0  }
0x8b: {  	s19 =	simm.s32 $0x1C200;
	[sflag:s18] =	ssyncadd.s32 $0xFFFFC000  }
0x8c: {  	[tilespmem:s0], [sflag:$0x1] =	stream.indirect.gather [hbm4b:s24+s13], $0x80, s19, s13, $0xb8;
	[tilespmem:$0x1CC80] =	vst v63  }
0x8d: {  	_ = 	snop  }
0x8e: {  	[spmem:s22] =	stream.indirect.scatter.add.f32 [tilespmem:s16], [sflag:$0x4], $0x80, s1, s13, $0xb8;
	[tilespmem:$0x1CC80] =	vst v63  }
0x8f: {  	_ =	swait.ge [sflag:s10], $0x4000  }
0x90: {  	[sflag:s10] =	ssyncset.done $0x0  }
0x91: {  	[sflag:s10] =	ssyncadd.s32 $0xFFFFC000  }
0x92: {  	_ =	swait.ge [sflag:s14], $0x4000  }
0x93: {  	[sflag:s14] =	ssyncset.done $0x0  }
0x94: {  	[sflag:s14] =	ssyncadd.s32 $0xFFFFC000  }
0x95: {  	[tilespmem:s16], [sflag:$0x2] =	stream.indirect.gather [hbm4b:s24+s13], $0x80, s21, s13, $0xb8;
	[tilespmem:$0x1CC80] =	vst v63  }
0x96: {  	_ = 	snop  }
0x97: {  	[spmem:s22] =	stream.indirect.scatter.add.f32 [tilespmem:s0], [sflag:$0x4], $0x80, s3, s13, $0xb8;
	[tilespmem:$0x1CC80] =	vst v63  }
0x98: {  	_ =	swait.ge [sflag:s10], $0x4000  }
0x99: {  	[sflag:s10] =	ssyncset.done $0x0  }
0x9a: {  	[sflag:s10] =	ssyncadd.s32 $0xFFFFC000  }
0x9b: {  	_ =	swait.ge [sflag:s18], $0x4000  }
0x9c: {  	[sflag:s18] =	ssyncset.done $0x0  }
0x9d: {  	[sflag:s18] =	ssyncadd.s32 $0xFFFFC000  }
0x9e: {  	[tilespmem:s0], [sflag:$0x1] =	stream.indirect.gather [hbm4b:s24+s13], $0x80, s4, s13, $0xb8;
	[tilespmem:$0x1CC80] =	vst v63  }
0x9f: {  	_ = 	snop  }
0xa0: {  	[spmem:s22] =	stream.indirect.scatter.add.f32 [tilespmem:s16], [sflag:$0x4], $0x80, s5, s13, $0xb8;
	[tilespmem:$0x1CC80] =	vst v63  }
0xa1: {  	_ =	swait.ge [sflag:s10], $0x4000  }
0xa2: {  	[sflag:s10] =	ssyncset.done $0x0  }
0xa3: {  	[sflag:s10] =	ssyncadd.s32 $0xFFFFC000  }
0xa4: {  	_ =	swait.ge [sflag:s14], $0x4000  }
0xa5: {  	[sflag:s14] =	ssyncset.done $0x0  }
0xa6: {  	[sflag:s14] =	ssyncadd.s32 $0xFFFFC000  }
0xa7: {  	[tilespmem:s16], [sflag:$0x2] =	stream.indirect.gather [hbm4b:s24+s13], $0x80, s6, s13, $0xb8;
	[tilespmem:$0x1CC80] =	vst v63  }
0xa8: {  	_ = 	snop  }
0xa9: {  	[spmem:s22] =	stream.indirect.scatter.add.f32 [tilespmem:s0], [sflag:$0x4], $0x80, s7, s13, $0xb8;
	[tilespmem:$0x1CC80] =	vst v63  }
0xaa: {  	_ =	swait.ge [sflag:s10], $0x4000  }
0xab: {  	[sflag:s10] =	ssyncset.done $0x0  }
0xac: {  	[sflag:s10] =	ssyncadd.s32 $0xFFFFC000  }
0xad: {  	_ =	swait.ge [sflag:s18], $0x4000  }
0xae: {  	[sflag:s18] =	ssyncset.done $0x0  }
.Ltmp5:
0xaf: {  	[sflag:s18] =	ssyncadd.s32 $0xFFFFC000;
	(pc) =	sbr.rel .LBB2_8-.Ltmp5, $4  }
0xb0: {  	[spmem:s22] =	stream.indirect.scatter.add.f32 [tilespmem:s16], [sflag:$0x3], $0x80, s28, s13, $0xb8;
	[tilespmem:$0x1CC80] =	vst v63  }
0xb1: {  	_ =	swait.ge [sflag:s8], $0x4000  }
0xb2: {  	[sflag:s8] =	ssyncset.done $0x0  }
0xb3: {  	[sflag:s8] =	ssyncadd.s32 $0xFFFFC000  }
.LBB2_9:
0xb4: {  	s11 =	rddreg [dreg:$0x5];
	s15 =	simm.s32 $0x1CC00  }
0xb5: {  	[tilespmem:s15], [sflag:$0x3] =	stream.linear.gather [hbm4b:s11+s0], $0x80, $0x38;
	[tilespmem:$0x1CC80] =	vst v63  }
0xb6: {  	_ =	swait.ge [sflag:s8], $0x80  }
0xb7: {  	[sflag:s8] =	ssyncset.done $0x0  }
0xb8: {  	[sflag:s8] =	ssyncadd.s32 $0xFFFFFF80  }
0xb9: {  	s20 =	rddreg [dreg:$0x2]  }
0xba: {  	[tilespmem:s0], [sflag:$0x1] =	stream.indirect.gather [hbm4b:s20+s13], $0x80, s15, s13, $0xb8;
	[tilespmem:$0x1CC80] =	vst v63  }
0xbb: {  	_ =	swait.ge [sflag:s14], $0x4000  }
0xbc: {  	[sflag:s14] =	ssyncset.done $0x0  }
0xbd: {  	s19 =	rddreg [dreg:$0x6];
	[sflag:s14] =	ssyncadd.s32 $0xFFFFC000  }
0xbe: {  	[hbm4b:s19+s0] =	stream.linear.scatter [tilespmem:s0], [sflag:$0x3], $0x4000, $0x38;
	[tilespmem:$0x1CC80] =	vst v63  }
0xbf: {  	_ =	swait.ge [sflag:s8], $0x4000  }
0xc0: {  	[sflag:s8] =	ssyncset.done $0x0  }
0xc1: {  	s29 =	rddreg [dreg:$0x7];
	[sflag:s8] =	ssyncadd.s32 $0xFFFFC000  }
0xc2: {  	[tilespmem:s15], [sflag:$0x3] =	stream.linear.gather [hbm4b:s29+s0], $0x80, $0x38;
	[tilespmem:$0x1CC80] =	vst v63  }
0xc3: {  	_ =	swait.ge [sflag:s8], $0x80  }
0xc4: {  	[sflag:s8] =	ssyncset.done $0x0  }
0xc5: {  	[sflag:s8] =	ssyncadd.s32 $0xFFFFFF80  }
0xc6: {  	[tilespmem:s0], [sflag:$0x1] =	stream.indirect.gather [hbm4b:s20+s13], $0x80, s15, s13, $0xb8;
	[tilespmem:$0x1CC80] =	vst v63  }
0xc7: {  	_ =	swait.ge [sflag:s14], $0x4000  }
0xc8: {  	[sflag:s14] =	ssyncset.done $0x0  }
0xc9: {  	s17 =	rddreg [dreg:$0x8];
	[sflag:s14] =	ssyncadd.s32 $0xFFFFC000  }
0xca: {  	[hbm4b:s17+s0] =	stream.linear.scatter [tilespmem:s0], [sflag:$0x3], $0x4000, $0x38;
	[tilespmem:$0x1CC80] =	vst v63  }
0xcb: {  	_ =	swait.ge [sflag:s8], $0x4000  }
0xcc: {  	s11 =	simm.s32 @!p0 $0x0;
	[sflag:s8] =	ssyncset.done $0x0  }
0xcd: {  	s15 =	simm.s32 @!p0 $0x1CC00;
	s17 =	rddreg [dreg:$0x9];
	[sflag:s8] =	ssyncadd.s32 $0xFFFFC000  }
0xce: {  	[tilespmem:s15], [sflag:$0x3] =	stream.linear.gather @!p0 [hbm4b:s17+s11], $0x80, $0x38;
	[tilespmem:$0x1CC80] =	vst v63  }
0xcf: {  	s17 =	simm.s32 @!p0 $0x3  }
0xd0: {  	_ =	swait.ge @!p0 [sflag:s17], $0x80  }
0xd1: {  	[sflag:s17] =	ssyncset.done @!p0 $0x0  }
0xd2: {  	s19 =	simm.s32 @!p0 $0x80;
	[sflag:s17] =	ssyncadd.s32 @!p0 $0xFFFFFF80  }
0xd3: {  	[tilespmem:s11], [sflag:$0x1] =	stream.indirect.gather @!p0 [hbm4b:s20+s19], $0x80, s15, s19, $0xb8;
	[tilespmem:$0x1CC80] =	vst v63  }
0xd4: {  	s15 =	simm.s32 @!p0 $0x1  }
0xd5: {  	_ =	swait.ge @!p0 [sflag:s15], $0x4000  }
0xd6: {  	[sflag:s15] =	ssyncset.done @!p0 $0x0  }
0xd7: {  	[sflag:s15] =	ssyncadd.s32 @!p0 $0xFFFFC000;
	s15 =	rddreg [dreg:$0xa]  }
0xd8: {  	[hbm4b:s15+s11] =	stream.linear.scatter @!p0 [tilespmem:s11], [sflag:$0x3], $0x4000, $0x38;
	[tilespmem:$0x1CC80] =	vst v63  }
0xd9: {  	_ =	swait.ge @!p0 [sflag:s17], $0x4000  }
0xda: {  	[sflag:s17] =	ssyncset.done @!p0 $0x0  }
0xdb: {  	[sflag:s17] =	ssyncadd.s32 @!p0 $0xFFFFC000  }
0xdc: {  	s19 =	stileid.u32;
	[bflag:$0x0] =	sbarrier.arrive $0xFFFF  }
0xdd: {  	s20 =	sshrl.u32 s30, $0x3;
	s11 =	sshll.u32 s19, $0x6;
	s29 =	rddreg [dreg:$0xc]  }
0xde: {  	s17 =	sor.u32 $0x1C03, s11;
	[smem:$0x7F8] =	sst s20  }
0xdf: {  	[hbm:s29], [sflag:s17] =	dma.local [spmem:s20], $0x800  }
0xe0: {  	_ =	swait.ge [sflag:s8], $0x800  }
0xe1: {  	s19 =	rddreg [dreg:$0x17]  }
0xe2: {  	[sflag:s8] =	ssyncset.done $0x0;
	s29 =	rddreg [dreg:$0xd];
	s20 =	sshrl.u32 s19, $0x3  }
0xe3: {  	[sflag:s8] =	ssyncadd.s32 $0xFFFFF800;
	[smem:$0x7F9] =	sst s20  }
0xe4: {  	[hbm:s29], [sflag:s17] =	dma.local [spmem:s20], $0x800  }
0xe5: {  	_ =	swait.ge [sflag:s8], $0x800  }
0xe6: {  	s19 =	rddreg [dreg:$0x18]  }
0xe7: {  	[sflag:s8] =	ssyncset.done $0x0;
	s29 =	rddreg [dreg:$0xe];
	s20 =	sshrl.u32 s19, $0x3  }
0xe8: {  	[sflag:s8] =	ssyncadd.s32 $0xFFFFF800;
	[smem:$0x7FA] =	sst s20  }
0xe9: {  	[hbm:s29], [sflag:s17] =	dma.local [spmem:s20], $0x800  }
0xea: {  	_ =	swait.ge [sflag:s8], $0x800  }
0xeb: {  	s15 =	rddreg [dreg:$0x19]  }
0xec: {  	[sflag:s8] =	ssyncset.done $0x0;
	s20 =	rddreg [dreg:$0xf];
	s19 =	sshrl.u32 s15, $0x3  }
0xed: {  	[sflag:s8] =	ssyncadd.s32 $0xFFFFF800;
	[smem:$0x7FB] =	sst s19  }
0xee: {  	[hbm:s20], [sflag:s17] =	dma.local [spmem:s19], $0x800  }
0xef: {  	_ =	swait.ge [sflag:s8], $0x800  }
0xf0: {  	s29 =	rddreg [dreg:$0x1a]  }
0xf1: {  	[sflag:s8] =	ssyncset.done $0x0;
	s19 =	rddreg [dreg:$0x10];
	s11 =	sshrl.u32 s29, $0x3  }
0xf2: {  	[sflag:s8] =	ssyncadd.s32 $0xFFFFF800;
	[smem:$0x7FC] =	sst s11  }
0xf3: {  	[hbm:s19], [sflag:s17] =	dma.local [spmem:s11], $0x800  }
0xf4: {  	s11 =	simm.s32 $0x0;
	_ =	swait.ge [sflag:s8], $0x800  }
0xf5: {  	s20 =	sand.u32 $0xFE00, s11;
	[sflag:s8] =	ssyncset.done $0x0  }
0xf6: {  	s29 =	sand.u32 $0x70, s11;
	s15 =	sshrl.u32 s20, $0x2;
	[sflag:s8] =	ssyncadd.s32 $0xFFFFF800  }
0xf7: {  	s19 =	sor.u32 s29, s15;
	s15 =	simm.s32 $0x40;
	[bflag:$0x0] =	sbarrier.arrive $0xFFFF  }
.LBB2_10:
0xf8: {  	p1 =	sne.s32 s15, $0xFFC0  }
0xf9: {  	[tilespmem:s19+$0x0] =	vst v0;
	s11 =	sadd.s32 $0x10, s11;
	s19 =	smov.u32 s15;
	s15 =	sadd.s32 $0x40, s15  }
.Ltmp6:
0xfa: {  	(pc) =	sbr.rel @p1 .LBB2_10-.Ltmp6, $4  }
0xfb: {  	_ = 	snop  }
0xfc: {  	s19 =	sand.u32 $0xFE00, s19  }
0xfd: {  	s29 =	sand.u32 $0x70, s11;
	s19 =	sshrl.u32 s19, $0x2  }
0xfe: {  	s19 =	sor.u32 s29, s19  }
0xff: {  	[tilespmem:s19+$0x0] =	vst v0;
	s11 =	simm.s32 $0x0  }
0x100: {  	[spmem:s30] =	stream.linear.scatter [tilespmem:s11], [sflag:$0x3], $0x4000, $0x38;
	[tilespmem:$0x1CC80] =	vst v63  }
0x101: {  	_ =	swait.ge [sflag:s8], $0x4000  }
0x102: {  	[sflag:s8] =	ssyncset.done $0x0  }
0x103: {  	[sflag:s8] =	ssyncadd.s32 $0xFFFFC000  }
0x104: {  	[spmem:s31] =	stream.linear.scatter [tilespmem:s11], [sflag:$0x3], $0x4000, $0x38;
	[tilespmem:$0x1CC80] =	vst v63  }
0x105: {  	_ =	swait.ge [sflag:s8], $0x4000  }
0x106: {  	[sflag:s8] =	ssyncset.done $0x0  }
0x107: {  	s15 =	rddreg [dreg:$0x1d];
	[sflag:s8] =	ssyncadd.s32 $0xFFFFC000  }
0x108: {  	[spmem:s15] =	stream.linear.scatter [tilespmem:s11], [sflag:$0x3], $0x4000, $0x38;
	[tilespmem:$0x1CC80] =	vst v63  }
0x109: {  	_ =	swait.ge [sflag:s8], $0x4000  }
0x10a: {  	[sflag:s8] =	ssyncset.done $0x0  }
0x10b: {  	s20 =	rddreg [dreg:$0x1e];
	[sflag:s8] =	ssyncadd.s32 $0xFFFFC000  }
0x10c: {  	[spmem:s20] =	stream.linear.scatter [tilespmem:s11], [sflag:$0x3], $0x4000, $0x38;
	[tilespmem:$0x1CC80] =	vst v63  }
0x10d: {  	_ =	swait.ge [sflag:s8], $0x4000  }
0x10e: {  	[sflag:s8] =	ssyncset.done $0x0  }
0x10f: {  	s29 =	rddreg [dreg:$0x1f];
	[sflag:s8] =	ssyncadd.s32 $0xFFFFC000  }
0x110: {  	[spmem:s29] =	stream.linear.scatter [tilespmem:s11], [sflag:$0x3], $0x4000, $0x38;
	[tilespmem:$0x1CC80] =	vst v63  }
0x111: {  	_ =	swait.ge [sflag:s8], $0x4000  }
0x112: {  	s30 =	sand.u32 $0xFE00, s11;
	[sflag:s8] =	ssyncset.done $0x0  }
0x113: {  	s31 =	sand.u32 $0x70, s11;
	s29 =	sshrl.u32 s30, $0x2;
	[sflag:s8] =	ssyncadd.s32 $0xFFFFC000  }
0x114: {  	s15 =	simm.s32 $0x40;
	s19 =	sor.u32 s31, s29;
	[bflag:$0x0] =	sbarrier.arrive $0xFFFF  }
.LBB2_12:
0x115: {  	p1 =	sne.s32 s15, $0xFFC0  }
0x116: {  	[tilespmem:s19+$0x0] =	vst v1;
	s11 =	sadd.s32 $0x10, s11;
	s19 =	smov.u32 s15;
	s15 =	sadd.s32 $0x40, s15  }
.Ltmp7:
0x117: {  	(pc) =	sbr.rel @p1 .LBB2_12-.Ltmp7, $4  }
0x118: {  	_ = 	snop  }
0x119: {  	s19 =	sand.u32 $0xFE00, s19  }
0x11a: {  	s29 =	sand.u32 $0x70, s11;
	s19 =	sshrl.u32 s19, $0x2  }
0x11b: {  	s19 =	sor.u32 s29, s19  }
0x11c: {  	p1 =	sle.u32 s23, $0x0;
	s20 =	rddreg [dreg:$0x1b]  }
0x11d: {  	[tilespmem:s19+$0x0] =	vst v1;
	s15 =	simm.s32 @!p1 $0x0;
	s19 =	simm.s32 @!p1 $0x1C800;
	s11 =	simm.s32 @!p1 $0x3  }
0x11e: {  	[tilespmem:s19], [sflag:$0x3] =	stream.linear.gather @!p1 [hbm4b:s20+s15], $0x400, $0x38;
	[tilespmem:$0x1CC80] =	vst v63  }
0x11f: {  	_ =	swait.ge @!p1 [sflag:s11], $0x400;
	p1 =	por p1, p1  }
0x120: {  	[sflag:s11] =	ssyncset.done @!p1 $0x0  }
0x121: {  	s29 =	simm.s32 @!p1 $0x80;
	[sflag:s11] =	ssyncadd.s32 @!p1 $0xFFFFFC00  }
0x122: {  	[spmem:s22] =	stream.indirect.scatter.add.f32 @!p1 [tilespmem:s15], [sflag:$0x3], $0x80, s19, s29, $0xb8;
	[tilespmem:$0x1CC80] =	vst v63  }
0x123: {  	_ =	swait.ge @!p1 [sflag:s11], $0x4000  }
0x124: {  	[sflag:s11] =	ssyncset.done @!p1 $0x0  }
0x125: {  	s19 =	simm.s32 @!p1 $0x1C880;
	[sflag:s11] =	ssyncadd.s32 @!p1 $0xFFFFC000  }
0x126: {  	[spmem:s22] =	stream.indirect.scatter.add.f32 @!p1 [tilespmem:s15], [sflag:$0x3], $0x80, s19, s29, $0xb8;
	[tilespmem:$0x1CC80] =	vst v63  }
0x127: {  	_ =	swait.ge @!p1 [sflag:s11], $0x4000  }
0x128: {  	[sflag:s11] =	ssyncset.done @!p1 $0x0  }
0x129: {  	s19 =	simm.s32 @!p1 $0x1C900;
	[sflag:s11] =	ssyncadd.s32 @!p1 $0xFFFFC000  }
0x12a: {  	[spmem:s22] =	stream.indirect.scatter.add.f32 @!p1 [tilespmem:s15], [sflag:$0x3], $0x80, s19, s29, $0xb8;
	[tilespmem:$0x1CC80] =	vst v63  }
0x12b: {  	_ =	swait.ge @!p1 [sflag:s11], $0x4000  }
0x12c: {  	[sflag:s11] =	ssyncset.done @!p1 $0x0  }
0x12d: {  	s19 =	simm.s32 @!p1 $0x1C980;
	[sflag:s11] =	ssyncadd.s32 @!p1 $0xFFFFC000  }
0x12e: {  	[spmem:s22] =	stream.indirect.scatter.add.f32 @!p1 [tilespmem:s15], [sflag:$0x3], $0x80, s19, s29, $0xb8;
	[tilespmem:$0x1CC80] =	vst v63  }
0x12f: {  	_ =	swait.ge @!p1 [sflag:s11], $0x4000  }
0x130: {  	[sflag:s11] =	ssyncset.done @!p1 $0x0  }
0x131: {  	s19 =	simm.s32 @!p1 $0x1CA00;
	[sflag:s11] =	ssyncadd.s32 @!p1 $0xFFFFC000  }
0x132: {  	[spmem:s22] =	stream.indirect.scatter.add.f32 @!p1 [tilespmem:s15], [sflag:$0x3], $0x80, s19, s29, $0xb8;
	[tilespmem:$0x1CC80] =	vst v63  }
0x133: {  	_ =	swait.ge @!p1 [sflag:s11], $0x4000  }
0x134: {  	[sflag:s11] =	ssyncset.done @!p1 $0x0  }
0x135: {  	s19 =	simm.s32 @!p1 $0x1CA80;
	[sflag:s11] =	ssyncadd.s32 @!p1 $0xFFFFC000  }
0x136: {  	[spmem:s22] =	stream.indirect.scatter.add.f32 @!p1 [tilespmem:s15], [sflag:$0x3], $0x80, s19, s29, $0xb8;
	[tilespmem:$0x1CC80] =	vst v63  }
0x137: {  	_ =	swait.ge @!p1 [sflag:s11], $0x4000  }
0x138: {  	[sflag:s11] =	ssyncset.done @!p1 $0x0  }
0x139: {  	s19 =	simm.s32 @!p1 $0x1CB00;
	[sflag:s11] =	ssyncadd.s32 @!p1 $0xFFFFC000  }
0x13a: {  	[spmem:s22] =	stream.indirect.scatter.add.f32 @!p1 [tilespmem:s15], [sflag:$0x3], $0x80, s19, s29, $0xb8;
	[tilespmem:$0x1CC80] =	vst v63  }
0x13b: {  	_ =	swait.ge @!p1 [sflag:s11], $0x4000  }
0x13c: {  	[sflag:s11] =	ssyncset.done @!p1 $0x0  }
0x13d: {  	p3 =	sle.u32 s23, $0x1;
	s19 =	simm.s32 @!p1 $0x1CB80;
	[sflag:s11] =	ssyncadd.s32 @!p1 $0xFFFFC000  }
0x13e: {  	[spmem:s22] =	stream.indirect.scatter.add.f32 @!p1 [tilespmem:s15], [sflag:$0x3], $0x80, s19, s29, $0xb8;
	[tilespmem:$0x1CC80] =	vst v63  }
0x13f: {  	s19 =	simm.s32 $0x2;
	s15 =	sadd.s32 $0x80, s20;
	_ =	swait.ge @!p1 [sflag:s11], $0x4000  }
.LBB2_14:
0x140: {  	s29 =	simm.s32 @!p3 $0x0  }
0x141: {  	s20 =	simm.s32 @!p3 $0x1C800;
	[sflag:s11] =	ssyncset.done @!p1 $0x0;
	s30 =	smov.u32 s19  }
0x142: {  	s19 =	sadd.s32 $0x1, s19;
	[sflag:s11] =	ssyncadd.s32 @!p1 $0xFFFFC000;
	s11 =	simm.s32 @!p3 $0x3  }
0x143: {  	[tilespmem:s20], [sflag:$0x3] =	stream.linear.gather @!p3 [hbm4b:s15+s29], $0x400, $0x38;
	[tilespmem:$0x1CC80] =	vst v63  }
0x144: {  	p2 =	sne.s32 s19, $0x10;
	p1 =	por p3, p3;
	_ =	swait.ge @!p3 [sflag:s11], $0x400  }
0x145: {  	[sflag:s11] =	ssyncset.done @!p1 $0x0  }
0x146: {  	s31 =	simm.s32 @!p1 $0x80;
	[sflag:s11] =	ssyncadd.s32 @!p1 $0xFFFFFC00  }
0x147: {  	[spmem:s22] =	stream.indirect.scatter.add.f32 @!p1 [tilespmem:s29], [sflag:$0x3], $0x80, s20, s31, $0xb8;
	[tilespmem:$0x1CC80] =	vst v63  }
0x148: {  	_ =	swait.ge @!p1 [sflag:s11], $0x4000  }
0x149: {  	[sflag:s11] =	ssyncset.done @!p1 $0x0  }
0x14a: {  	s20 =	simm.s32 @!p1 $0x1C880;
	[sflag:s11] =	ssyncadd.s32 @!p1 $0xFFFFC000  }
0x14b: {  	[spmem:s22] =	stream.indirect.scatter.add.f32 @!p1 [tilespmem:s29], [sflag:$0x3], $0x80, s20, s31, $0xb8;
	[tilespmem:$0x1CC80] =	vst v63  }
0x14c: {  	_ =	swait.ge @!p1 [sflag:s11], $0x4000  }
0x14d: {  	[sflag:s11] =	ssyncset.done @!p1 $0x0  }
0x14e: {  	s20 =	simm.s32 @!p1 $0x1C900;
	[sflag:s11] =	ssyncadd.s32 @!p1 $0xFFFFC000  }
0x14f: {  	[spmem:s22] =	stream.indirect.scatter.add.f32 @!p1 [tilespmem:s29], [sflag:$0x3], $0x80, s20, s31, $0xb8;
	[tilespmem:$0x1CC80] =	vst v63  }
0x150: {  	_ =	swait.ge @!p1 [sflag:s11], $0x4000  }
0x151: {  	[sflag:s11] =	ssyncset.done @!p1 $0x0  }
0x152: {  	s20 =	simm.s32 @!p1 $0x1C980;
	[sflag:s11] =	ssyncadd.s32 @!p1 $0xFFFFC000  }
0x153: {  	[spmem:s22] =	stream.indirect.scatter.add.f32 @!p1 [tilespmem:s29], [sflag:$0x3], $0x80, s20, s31, $0xb8;
	[tilespmem:$0x1CC80] =	vst v63  }
0x154: {  	_ =	swait.ge @!p1 [sflag:s11], $0x4000  }
0x155: {  	[sflag:s11] =	ssyncset.done @!p1 $0x0  }
0x156: {  	s20 =	simm.s32 @!p1 $0x1CA00;
	[sflag:s11] =	ssyncadd.s32 @!p1 $0xFFFFC000  }
0x157: {  	[spmem:s22] =	stream.indirect.scatter.add.f32 @!p1 [tilespmem:s29], [sflag:$0x3], $0x80, s20, s31, $0xb8;
	[tilespmem:$0x1CC80] =	vst v63  }
0x158: {  	_ =	swait.ge @!p1 [sflag:s11], $0x4000  }
0x159: {  	[sflag:s11] =	ssyncset.done @!p1 $0x0  }
0x15a: {  	s20 =	simm.s32 @!p1 $0x1CA80;
	[sflag:s11] =	ssyncadd.s32 @!p1 $0xFFFFC000  }
0x15b: {  	[spmem:s22] =	stream.indirect.scatter.add.f32 @!p1 [tilespmem:s29], [sflag:$0x3], $0x80, s20, s31, $0xb8;
	[tilespmem:$0x1CC80] =	vst v63  }
0x15c: {  	_ =	swait.ge @!p1 [sflag:s11], $0x4000  }
0x15d: {  	[sflag:s11] =	ssyncset.done @!p1 $0x0  }
0x15e: {  	s20 =	simm.s32 @!p1 $0x1CB00;
	[sflag:s11] =	ssyncadd.s32 @!p1 $0xFFFFC000  }
0x15f: {  	[spmem:s22] =	stream.indirect.scatter.add.f32 @!p1 [tilespmem:s29], [sflag:$0x3], $0x80, s20, s31, $0xb8;
	[tilespmem:$0x1CC80] =	vst v63  }
.Ltmp8:
0x160: {  	_ =	swait.ge @!p1 [sflag:s11], $0x4000;
	(pc) =	sbr.rel @p2 .LBB2_14-.Ltmp8, $4  }
0x161: {  	[sflag:s11] =	ssyncset.done @!p1 $0x0  }
0x162: {  	s20 =	simm.s32 @!p1 $0x1CB80;
	[sflag:s11] =	ssyncadd.s32 @!p1 $0xFFFFC000  }
0x163: {  	[spmem:s22] =	stream.indirect.scatter.add.f32 @!p1 [tilespmem:s29], [sflag:$0x3], $0x80, s20, s31, $0xb8;
	[tilespmem:$0x1CC80] =	vst v63  }
0x164: {  	s15 =	sadd.s32 $0x80, s15;
	p3 =	sge.u32 s30, s23;
	_ =	swait.ge @!p1 [sflag:s11], $0x4000  }
0x165: {  	s19 =	simm.s32 @!p3 $0x0;
	[sflag:s11] =	ssyncset.done @!p1 $0x0  }
0x166: {  	s20 =	simm.s32 @!p3 $0x1C800;
	s29 =	simm.s32 @!p3 $0x3;
	[sflag:s11] =	ssyncadd.s32 @!p1 $0xFFFFC000  }
0x167: {  	[tilespmem:s20], [sflag:$0x3] =	stream.linear.gather @!p3 [hbm4b:s15+s19], $0x400, $0x38;
	[tilespmem:$0x1CC80] =	vst v63  }
0x168: {  	p1 =	por p3, p3;
	_ =	swait.ge @!p3 [sflag:s29], $0x400  }
0x169: {  	[sflag:s29] =	ssyncset.done @!p1 $0x0  }
0x16a: {  	s11 =	simm.s32 @!p1 $0x80;
	[sflag:s29] =	ssyncadd.s32 @!p1 $0xFFFFFC00  }
0x16b: {  	[spmem:s22] =	stream.indirect.scatter.add.f32 @!p1 [tilespmem:s19], [sflag:$0x3], $0x80, s20, s11, $0xb8;
	[tilespmem:$0x1CC80] =	vst v63  }
0x16c: {  	_ =	swait.ge @!p1 [sflag:s29], $0x4000  }
0x16d: {  	[sflag:s29] =	ssyncset.done @!p1 $0x0  }
0x16e: {  	s15 =	simm.s32 @!p1 $0x1C880;
	[sflag:s29] =	ssyncadd.s32 @!p1 $0xFFFFC000  }
0x16f: {  	[spmem:s22] =	stream.indirect.scatter.add.f32 @!p1 [tilespmem:s19], [sflag:$0x3], $0x80, s15, s11, $0xb8;
	[tilespmem:$0x1CC80] =	vst v63  }
0x170: {  	_ =	swait.ge @!p1 [sflag:s29], $0x4000  }
0x171: {  	[sflag:s29] =	ssyncset.done @!p1 $0x0  }
0x172: {  	s15 =	simm.s32 @!p1 $0x1C900;
	[sflag:s29] =	ssyncadd.s32 @!p1 $0xFFFFC000  }
0x173: {  	[spmem:s22] =	stream.indirect.scatter.add.f32 @!p1 [tilespmem:s19], [sflag:$0x3], $0x80, s15, s11, $0xb8;
	[tilespmem:$0x1CC80] =	vst v63  }
0x174: {  	_ =	swait.ge @!p1 [sflag:s29], $0x4000  }
0x175: {  	[sflag:s29] =	ssyncset.done @!p1 $0x0  }
0x176: {  	s15 =	simm.s32 @!p1 $0x1C980;
	[sflag:s29] =	ssyncadd.s32 @!p1 $0xFFFFC000  }
0x177: {  	[spmem:s22] =	stream.indirect.scatter.add.f32 @!p1 [tilespmem:s19], [sflag:$0x3], $0x80, s15, s11, $0xb8;
	[tilespmem:$0x1CC80] =	vst v63  }
0x178: {  	_ =	swait.ge @!p1 [sflag:s29], $0x4000  }
0x179: {  	[sflag:s29] =	ssyncset.done @!p1 $0x0  }
0x17a: {  	s15 =	simm.s32 @!p1 $0x1CA00;
	[sflag:s29] =	ssyncadd.s32 @!p1 $0xFFFFC000  }
0x17b: {  	[spmem:s22] =	stream.indirect.scatter.add.f32 @!p1 [tilespmem:s19], [sflag:$0x3], $0x80, s15, s11, $0xb8;
	[tilespmem:$0x1CC80] =	vst v63  }
0x17c: {  	_ =	swait.ge @!p1 [sflag:s29], $0x4000  }
0x17d: {  	[sflag:s29] =	ssyncset.done @!p1 $0x0  }
0x17e: {  	s15 =	simm.s32 @!p1 $0x1CA80;
	[sflag:s29] =	ssyncadd.s32 @!p1 $0xFFFFC000  }
0x17f: {  	[spmem:s22] =	stream.indirect.scatter.add.f32 @!p1 [tilespmem:s19], [sflag:$0x3], $0x80, s15, s11, $0xb8;
	[tilespmem:$0x1CC80] =	vst v63  }
0x180: {  	_ =	swait.ge @!p1 [sflag:s29], $0x4000  }
0x181: {  	[sflag:s29] =	ssyncset.done @!p1 $0x0  }
0x182: {  	s15 =	simm.s32 @!p1 $0x1CB00;
	[sflag:s29] =	ssyncadd.s32 @!p1 $0xFFFFC000  }
0x183: {  	[spmem:s22] =	stream.indirect.scatter.add.f32 @!p1 [tilespmem:s19], [sflag:$0x3], $0x80, s15, s11, $0xb8;
	[tilespmem:$0x1CC80] =	vst v63  }
0x184: {  	_ =	swait.ge @!p1 [sflag:s29], $0x4000  }
0x185: {  	[sflag:s29] =	ssyncset.done @!p1 $0x0  }
0x186: {  	s15 =	simm.s32 @!p1 $0x1CB80;
	[sflag:s29] =	ssyncadd.s32 @!p1 $0xFFFFC000  }
0x187: {  	[spmem:s22] =	stream.indirect.scatter.add.f32 @!p1 [tilespmem:s19], [sflag:$0x3], $0x80, s15, s11, $0xb8;
	[tilespmem:$0x1CC80] =	vst v63  }
0x188: {  	_ =	swait.ge @!p1 [sflag:s29], $0x4000  }
0x189: {  	[sflag:s29] =	ssyncset.done @!p1 $0x0  }
0x18a: {  	[sflag:s29] =	ssyncadd.s32 @!p1 $0xFFFFC000  }
0x18b: {  	[bflag:$0x0] =	sbarrier.arrive $0xFFFF  }
0x18c: {  	s20 =	sld [smem:$0x7F8];
	_ =	sdelay $0x1  }
0x18d: {  	s19 =	rddreg [dreg:$0xb]  }
0x18e: {  	[hbm:s19], [sflag:s17] =	dma.local [spmem:s20], $0x800  }
0x18f: {  	_ =	swait.ge [sflag:s8], $0x800  }
0x190: {  	s20 =	sld [smem:$0x7F9]  }
0x191: {  	[sflag:s8] =	ssyncset.done $0x0  }
0x192: {  	s19 =	rddreg [dreg:$0x11];
	[sflag:s8] =	ssyncadd.s32 $0xFFFFF800  }
0x193: {  	[hbm:s19], [sflag:s17] =	dma.local [spmem:s20], $0x800  }
0x194: {  	_ =	swait.ge [sflag:s8], $0x800  }
0x195: {  	s20 =	sld [smem:$0x7FA]  }
0x196: {  	[sflag:s8] =	ssyncset.done $0x0  }
0x197: {  	s19 =	rddreg [dreg:$0x12];
	[sflag:s8] =	ssyncadd.s32 $0xFFFFF800  }
0x198: {  	[hbm:s19], [sflag:s17] =	dma.local [spmem:s20], $0x800  }
0x199: {  	_ =	swait.ge [sflag:s8], $0x800  }
0x19a: {  	s20 =	sld [smem:$0x7FB]  }
0x19b: {  	[sflag:s8] =	ssyncset.done $0x0  }
0x19c: {  	s19 =	rddreg [dreg:$0x13];
	[sflag:s8] =	ssyncadd.s32 $0xFFFFF800  }
0x19d: {  	[hbm:s19], [sflag:s17] =	dma.local [spmem:s20], $0x800  }
0x19e: {  	_ =	swait.ge [sflag:s8], $0x800  }
0x19f: {  	s20 =	sld [smem:$0x7FC]  }
0x1a0: {  	[sflag:s8] =	ssyncset.done $0x0  }
0x1a1: {  	s19 =	rddreg [dreg:$0x14];
	[sflag:s8] =	ssyncadd.s32 $0xFFFFF800  }
0x1a2: {  	[hbm:s19], [sflag:s17] =	dma.local [spmem:s20], $0x800  }
0x1a3: {  	_ =	swait.ge [sflag:s8], $0x800  }
0x1a4: {  	s19 =	sld [smem:$0x7FD];
	_ =	sdelay $0x2  }
0x1a5: {  	s20 =	rddreg [dreg:$0x16];
	s15 =	sadd.s32 $0x1, s19  }
0x1a6: {  	p1 =	sne.s32 s15, s20  }
.Ltmp9:
0x1a7: {  	_ = 	snop;
	(pc) =	sbr.rel @p1 .LBB2_1-.Ltmp9, $4  }
0x1a8: {  	_ = 	snop  }
0x1a9: {  	[sflag:s8] =	ssyncset.done $0x0;
	s30 =	rddreg [dreg:$0x15]  }
0x1aa: {  	s31 =	rddreg [dreg:$0x1c];
	[sflag:s8] =	ssyncadd.s32 $0xFFFFF800  }
0x1ab: {  	s29 =	simm.s32 $0x1C400;
	s20 =	rddreg [dreg:$0x1]  }
0x1ac: {  	_ =	sfence.sel $0x180000  }
0x1ad: {  	[bflag:$0x0] =	sbarrier.arrive $0xFFFF  }
0x1ae: {  	_ =	strace $0x90000047  }
0x1af: {  	s0 =	stileid.u32;
	[bflag:$0x2] =	sbarrier.arrive $0xFFFF  }
0x1b0: {  	p0 =	sne.s32 s0, $0x0;
	s0 =	rddreg [dreg:$0x4]  }
0x1b1: {  	s0 =	sadd.s32 @!p0 $0x100000, s0  }
0x1b2: {  	[sflag:s0] =	ssyncadd.tile.s32 @!p0 $0x1;
	_ =	shalt  }
.Lfunc_end2:
_tile_overlayer_lowered:
.L_overlay_start_2:
0x1b3: {  	(tag) =	ssettag $0x2  }
0x1b4: {  	s0 =	rddreg [dreg:$0x0];
	s2 =	stileid.u32  }
0x1b5: {  	s1 =	rddreg [dreg:$0x1];
	p0 =	sne.s32 s2, $0x0  }
0x1b6: {  	s3 =	rddreg [dreg:$0x2];
	[bflag:$0x3] =	sbarrier.arrive $0xFFFF;
	s2 =	simm.s32 @!p0 $0x1C03  }
0x1b7: {  	[timem:s3], [sflag:s2] =	dma.local @!p0 [hbm:s0], s1  }
0x1b8: {  	s0 =	simm.s32 @!p0 $0x3  }
0x1b9: {  	_ =	swait.ge @!p0 [sflag:s0], s1  }
0x1ba: {  	s1 =	ssub.s32 @!p0 $0x0, s1;
	[sflag:s0] =	ssyncset.done @!p0 $0x0  }
0x1bb: {  	[sflag:s0] =	ssyncadd.s32 @!p0 s1  }
0x1bc: {  	[bflag:$0x3] =	sbarrier.arrive $0xFFFF  }
0x1bd: {  	_ =	shalt  }

</sc_bundles>
